<compile_context>
chip_gen: v7x
topology: tpu7x:2x2x1
jax: 0.10.2.dev20260603
libtpu: 0.0.44.dev20260713+nightly
codegen_flags: <defaults>
</compile_context>

<pallas_src>
import functools

import jax
import jax.numpy as jnp
from jax import lax
from jax.experimental import pallas as pl
from jax.experimental.pallas import tpu as pltpu
from jax.experimental.pallas import tpu_sc as plsc

_V = 1000
_D = 64
_L = 16
_CH = 32
_BB = 64
_BIG = 1 << 30


_NS = 4
_SR = _BB // _NS


def _argmax_body(G, x_hbm, tok_ref, buf, sems):
    i = pl.program_id(0)

    def issue(blk, slot):
        for j in range(_NS):
            pltpu.make_async_copy(
                x_hbm.at[pl.ds(blk * _BB + j * _SR, _SR)],
                buf.at[slot, pl.ds(j * _SR, _SR)],
                sems.at[slot, j],
            ).start()

    def wait(blk, slot):
        for j in range(_NS):
            pltpu.make_async_copy(
                x_hbm.at[pl.ds(blk * _BB + j * _SR, _SR)],
                buf.at[slot, pl.ds(j * _SR, _SR)],
                sems.at[slot, j],
            ).wait()

    @pl.when(i == 0)
    def _():
        issue(0, 0)

    @pl.when(i + 1 < G)
    def _():
        issue(i + 1, (i + 1) % 2)

    wait(i, i % 2)
    xb = buf[i % 2]
    m = jnp.max(xb, axis=2, keepdims=True)
    idx = lax.broadcasted_iota(jnp.int32, xb.shape, 2)
    cand = jnp.where(xb == m, idx, _BIG)
    tok_ref[...] = jnp.min(cand, axis=2)


def _tc_argmax(x):
    B, N, V = x.shape
    G = B // _BB
    return pl.pallas_call(
        functools.partial(_argmax_body, G),
        grid=(G,),
        in_specs=[pl.BlockSpec(memory_space=pl.ANY)],
        out_specs=pl.BlockSpec((_BB, N), lambda i: (i, 0)),
        out_shape=jax.ShapeDtypeStruct((B, N), jnp.int32),
        scratch_shapes=[
            pltpu.VMEM((2, _BB, N, V), jnp.float32),
            pltpu.SemaphoreType.DMA((2, _NS)),
        ],
        compiler_params=pltpu.CompilerParams(
            dimension_semantics=("arbitrary",)),
    )(x)


def kernel(x, W):
    B, N, V = x.shape
    R = B * N
    tokens = _tc_argmax(x).reshape(R)

    info = plsc.get_sparse_core_info()
    NC, NS = info.num_cores, info.num_subcores
    NW = NC * NS
    rpw = R // NW
    n_chunks = rpw // _CH
    wf = W.reshape(-1)
    mesh = plsc.VectorSubcoreMesh(core_axis_name="c", subcore_axis_name="s")

    @functools.partial(
        pl.kernel,
        out_type=jax.ShapeDtypeStruct((R * _D,), jnp.float32),
        mesh=mesh,
        scratch_types=[
            pltpu.VMEM((rpw,), jnp.int32),
            pltpu.VMEM((_V * _D,), jnp.float32),
            pltpu.VMEM((_CH * _D,), jnp.float32),
            pltpu.VMEM((_CH * _D,), jnp.float32),
            pltpu.SemaphoreType.DMA,
            pltpu.SemaphoreType.DMA,
            pltpu.SemaphoreType.DMA,
            pltpu.SemaphoreType.DMA,
        ],
        compiler_params=pltpu.CompilerParams(
            use_tc_tiling_on_sc=False, needs_layout_passes=False),
    )
    def run(t_hbm, w_hbm, o_hbm, tokbuf, wtab, rb0, rb1, ts, ws, os0, os1):
        cid = lax.axis_index("c")
        sid = lax.axis_index("s")
        wid = sid * NC + cid
        row0 = wid * rpw

        pltpu.async_copy(w_hbm, wtab, ws)
        pltpu.async_copy(t_hbm.at[pl.ds(row0, rpw)], tokbuf, ts)
        pltpu.make_async_copy(w_hbm, wtab, ws).wait()
        pltpu.make_async_copy(t_hbm.at[pl.ds(row0, rpw)], tokbuf, ts).wait()

        rbufs = (rb0, rb1)
        osems = (os0, os1)

        def out_dst(g):
            return o_hbm.at[pl.ds((row0 + g * _CH) * _D, _CH * _D)]

        def do_chunk(g, b):
            rb = rbufs[b]

            @pl.when(g >= 2)
            def _():
                pltpu.make_async_copy(rb, out_dst(g - 2), osems[b]).wait()

            def group_body(h, carry):
                tv = tokbuf[pl.ds(g * _CH + h * _L, _L)] * _D
                r0 = h * _L
                for rr in range(_L):
                    base = tv[rr]
                    for k in range(_D // _L):
                        rb[pl.ds((r0 + rr) * _D + k * _L, _L)] = (
                            wtab[pl.ds(base + k * _L, _L)])
                return carry
            lax.fori_loop(0, _CH // _L, group_body, 0)

            pltpu.async_copy(rb, out_dst(g), osems[b])

        def outer(gp, carry):
            do_chunk(2 * gp, 0)
            do_chunk(2 * gp + 1, 1)
            return carry
        lax.fori_loop(0, n_chunks // 2, outer, 0)

        pltpu.make_async_copy(rb0, out_dst(n_chunks - 2), osems[0]).wait()
        pltpu.make_async_copy(rb1, out_dst(n_chunks - 1), osems[1]).wait()

    out = run(tokens, wf)
    return out.reshape(B, N, _D)

# --- scband reference (transcript-rebuilt; emitter-appended) ---
"""Pipeline reference for scband-one-hot-dictionary-26259430048217 (READ-ONLY COPY).

The authoritative reference and input builder live on the scoring server;
editing this copy changes nothing except your own understanding.
"""

import jax, jax.numpy as jnp
import numpy as np

VOCAB_SIZE = 1000
EMB_SIZE = 64
B = 1024
N = 50

def setup_inputs(seed: int = 0) -> dict:
    key = jax.random.key(seed)
    kx, kw = jax.random.split(key)
    x = jax.random.normal(kx, (B, N, VOCAB_SIZE), dtype=jnp.float32)
    # nn.Embedding default init: N(0, 1)
    W = jax.random.normal(kw, (VOCAB_SIZE, EMB_SIZE), dtype=jnp.float32)
    return {"x": x, "W": W}

def reference(x, W):
    # tokens = argmax over vocab dim
    tokens = jnp.argmax(x, axis=-1)  # [B, N] int
    # embedding lookup (eval-mode path; training-only bookkeeping is stateful side-effects, not part of output)
    token_embs = jnp.take(W, tokens, axis=0)  # [B, N, EMB_SIZE]
    return token_embs

if __name__ == "__main__":
    import jax
    _d = setup_inputs()
    print(jax.jit(kernel)(*tuple(_d.values())))

</pallas_src>

<mosaic_0001>
#map = affine_map<(d0, d1) -> (0)>
module attributes {stable_mosaic.version = 14 : i64} {
  func.func @run(%arg0: i32, %arg1: i32, %arg2: memref<51200xi32, #tpu.memory_space<hbm>>, %arg3: memref<64000xf32, #tpu.memory_space<hbm>>, %arg4: memref<3276800xf32, #tpu.memory_space<hbm>>, %arg5: memref<1600xi32, #tpu.memory_space<vmem>>, %arg6: memref<64000xf32, #tpu.memory_space<vmem>>, %arg7: memref<2048xf32, #tpu.memory_space<vmem>>, %arg8: memref<2048xf32, #tpu.memory_space<vmem>>, %arg9: memref<!tpu.dma_semaphore, #tpu.memory_space<semaphore_mem>>, %arg10: memref<!tpu.dma_semaphore, #tpu.memory_space<semaphore_mem>>, %arg11: memref<!tpu.dma_semaphore, #tpu.memory_space<semaphore_mem>>, %arg12: memref<!tpu.dma_semaphore, #tpu.memory_space<semaphore_mem>>) attributes {dimension_semantics = [#tpu.dimension_semantics<core_parallel>, #tpu.dimension_semantics<subcore_parallel>], iteration_bounds = array<i64: 2, 16>, scalar_prefetch = 0 : i64, scratch_operands = 8 : i64, tpu.core_type = #tpu.core_type<sc_vector_subcore>, window_params = [{transform_indices = #map}, {transform_indices = #map}, {transform_indices = #map}]} {
    %mul3A = arith.constant 2 : i32
    %mul3A_0 = arith.muli %arg1, %mul3A : i32
    %add3A = arith.addi %mul3A_0, %arg0 : i32
    %mul3A_1 = arith.constant 1600 : i32
    %mul3A_2 = arith.muli %add3A, %mul3A_1 : i32
    tpu.enqueue_dma source(%arg3 : memref<64000xf32, #tpu.memory_space<hbm>>) target(%arg6 : memref<64000xf32, #tpu.memory_space<vmem>>) target_semaphore(%arg10 : memref<!tpu.dma_semaphore, #tpu.memory_space<semaphore_mem>>)
    %dma_start3A = tpu.memref_slice %arg2[%mul3A_2] : memref<51200xi32, #tpu.memory_space<hbm>> -> memref<1600xi32, #tpu.memory_space<hbm>>
    %dma_start3A_3 = tpu.memref_slice %arg2[%mul3A_2] : memref<51200xi32, #tpu.memory_space<hbm>> -> memref<1600xi32, #tpu.memory_space<hbm>>
    tpu.enqueue_dma source(%dma_start3A_3 : memref<1600xi32, #tpu.memory_space<hbm>>) target(%arg5 : memref<1600xi32, #tpu.memory_space<vmem>>) target_semaphore(%arg9 : memref<!tpu.dma_semaphore, #tpu.memory_space<semaphore_mem>>)
    tpu.wait_dma2 semaphore(%arg10 : memref<!tpu.dma_semaphore, #tpu.memory_space<semaphore_mem>>) src(%arg3 : memref<64000xf32, #tpu.memory_space<hbm>>) dst(%arg6 : memref<64000xf32, #tpu.memory_space<vmem>>)
    %dma_wait3A = tpu.memref_slice %arg2[%mul3A_2] : memref<51200xi32, #tpu.memory_space<hbm>> -> memref<1600xi32, #tpu.memory_space<hbm>>
    %dma_wait3A_4 = tpu.memref_slice %arg2[%mul3A_2] : memref<51200xi32, #tpu.memory_space<hbm>> -> memref<1600xi32, #tpu.memory_space<hbm>>
    tpu.wait_dma2 semaphore(%arg9 : memref<!tpu.dma_semaphore, #tpu.memory_space<semaphore_mem>>) src(%dma_wait3A_4 : memref<1600xi32, #tpu.memory_space<hbm>>) dst(%arg5 : memref<1600xi32, #tpu.memory_space<vmem>>)
    %scan3A = arith.constant 0 : i32
    %scan3A_5 = arith.constant 0 : i32
    %scan3A_6 = arith.constant 25 : i32
    %scan3A_7 = arith.addi %scan3A_5, %scan3A_6 : i32
    %scan3A_8 = arith.constant 1 : i32
    scf.for %scan3A_22 = %scan3A_5 to %scan3A_7 step %scan3A_8  : i32 {
      %mul3A_23 = arith.constant 2 : i32
      %mul3A_24 = arith.muli %mul3A_23, %scan3A_22 : i32
      %ge3A = arith.constant 2 : i32
      %ge3A_25 = arith.cmpi sge, %mul3A_24, %ge3A : i32
      %convert_element_type3A = arith.extui %ge3A_25 : i1 to i32
      %cond3A = arith.constant 0 : i32
      %cond3A_26 = arith.cmpi ne, %convert_element_type3A, %cond3A : i32
      scf.if %cond3A_26 {
        %sub3A = arith.constant 2 : i32
        %sub3A_62 = arith.subi %mul3A_24, %sub3A : i32
        %mul3A_63 = arith.constant 32 : i32
        %mul3A_64 = arith.muli %sub3A_62, %mul3A_63 : i32
        %add3A_65 = arith.addi %mul3A_2, %mul3A_64 : i32
        %mul3A_66 = arith.constant 64 : i32
        %mul3A_67 = arith.muli %add3A_65, %mul3A_66 : i32
        %dma_wait3A_68 = tpu.memref_slice %arg4[%mul3A_67] : memref<3276800xf32, #tpu.memory_space<hbm>> -> memref<2048xf32, #tpu.memory_space<hbm>>
        %dma_wait3A_69 = tpu.memref_slice %arg4[%mul3A_67] : memref<3276800xf32, #tpu.memory_space<hbm>> -> memref<2048xf32, #tpu.memory_space<hbm>>
        tpu.wait_dma2 semaphore(%arg11 : memref<!tpu.dma_semaphore, #tpu.memory_space<semaphore_mem>>) src(%arg7 : memref<2048xf32, #tpu.memory_space<vmem>>) dst(%dma_wait3A_69 : memref<2048xf32, #tpu.memory_space<hbm>>)
      } else {
      }
      %scan3A_27 = arith.constant 0 : i32
      %scan3A_28 = arith.constant 0 : i32
      %scan3A_29 = arith.constant 2 : i32
      %scan3A_30 = arith.addi %scan3A_28, %scan3A_29 : i32
      %scan3A_31 = arith.constant 1 : i32
      scf.for %scan3A_62 = %scan3A_28 to %scan3A_30 step %scan3A_31  : i32 {
        %mul3A_63 = arith.constant 32 : i32
        %mul3A_64 = arith.muli %mul3A_24, %mul3A_63 : i32
        %mul3A_65 = arith.constant 16 : i32
        %mul3A_66 = arith.muli %scan3A_62, %mul3A_65 : i32
        %add3A_67 = arith.addi %mul3A_64, %mul3A_66 : i32
        %get3A = arith.index_cast %add3A_67 : i32 to index
        %get3A_68 = tpu.vector_load %arg5[%get3A] {strides = array<i32>} : memref<1600xi32, #tpu.memory_space<vmem>>, vector<16xi32>,
        %mul3A_69 = arith.constant 64 : i32
        %mul3A_70 = vector.broadcast %mul3A_69 : i32 to vector<16xi32>
        %mul3A_71 = arith.muli %get3A_68, %mul3A_70 : vector<16xi32>
        %mul3A_72 = arith.constant 16 : i32
        %mul3A_73 = arith.muli %scan3A_62, %mul3A_72 : i32
        %slice3A = vector.extract_strided_slice %mul3A_71 {offsets = [0], sizes = [1], strides = [1]} : vector<16xi32> to vector<1xi32>
        %squeeze3A = vector.extract %slice3A[0] : i32 from vector<1xi32>
        %add3A_74 = arith.constant 0 : i32
        %add3A_75 = arith.addi %squeeze3A, %add3A_74 : i32
        %get3A_76 = arith.index_cast %add3A_75 : i32 to index
        %get3A_77 = tpu.vector_load %arg6[%get3A_76] {strides = array<i32>} : memref<64000xf32, #tpu.memory_space<vmem>>, vector<16xf32>,
        %add3A_78 = arith.constant 0 : i32
        %add3A_79 = arith.addi %mul3A_73, %add3A_78 : i32
        %mul3A_80 = arith.constant 64 : i32
        %mul3A_81 = arith.muli %add3A_79, %mul3A_80 : i32
        %add3A_82 = arith.constant 0 : i32
        %add3A_83 = arith.addi %mul3A_81, %add3A_82 : i32
        %swap3A = arith.index_cast %add3A_83 : i32 to index
        %swap3A_84 = tpu.vector_load %arg7[%swap3A] {strides = array<i32>} : memref<2048xf32, #tpu.memory_space<vmem>>, vector<16xf32>,
        tpu.vector_store %arg7[%swap3A], %get3A_77 {strides = array<i32>} : memref<2048xf32, #tpu.memory_space<vmem>>, vector<16xf32>,
        %add3A_85 = arith.constant 16 : i32
        %add3A_86 = arith.addi %squeeze3A, %add3A_85 : i32
        %get3A_87 = arith.index_cast %add3A_86 : i32 to index
        %get3A_88 = tpu.vector_load %arg6[%get3A_87] {strides = array<i32>} : memref<64000xf32, #tpu.memory_space<vmem>>, vector<16xf32>,
        %add3A_89 = arith.constant 0 : i32
        %add3A_90 = arith.addi %mul3A_73, %add3A_89 : i32
        %mul3A_91 = arith.constant 64 : i32
        %mul3A_92 = arith.muli %add3A_90, %mul3A_91 : i32
        %add3A_93 = arith.constant 16 : i32
        %add3A_94 = arith.addi %mul3A_92, %add3A_93 : i32
        %swap3A_95 = arith.index_cast %add3A_94 : i32 to index
        %swap3A_96 = tpu.vector_load %arg7[%swap3A_95] {strides = array<i32>} : memref<2048xf32, #tpu.memory_space<vmem>>, vector<16xf32>,
        tpu.vector_store %arg7[%swap3A_95], %get3A_88 {strides = array<i32>} : memref<2048xf32, #tpu.memory_space<vmem>>, vector<16xf32>,
        %add3A_97 = arith.constant 32 : i32
        %add3A_98 = arith.addi %squeeze3A, %add3A_97 : i32
        %get3A_99 = arith.index_cast %add3A_98 : i32 to index
        %get3A_100 = tpu.vector_load %arg6[%get3A_99] {strides = array<i32>} : memref<64000xf32, #tpu.memory_space<vmem>>, vector<16xf32>,
        %add3A_101 = arith.constant 0 : i32
        %add3A_102 = arith.addi %mul3A_73, %add3A_101 : i32
        %mul3A_103 = arith.constant 64 : i32
        %mul3A_104 = arith.muli %add3A_102, %mul3A_103 : i32
        %add3A_105 = arith.constant 32 : i32
        %add3A_106 = arith.addi %mul3A_104, %add3A_105 : i32
        %swap3A_107 = arith.index_cast %add3A_106 : i32 to index
        %swap3A_108 = tpu.vector_load %arg7[%swap3A_107] {strides = array<i32>} : memref<2048xf32, #tpu.memory_space<vmem>>, vector<16xf32>,
        tpu.vector_store %arg7[%swap3A_107], %get3A_100 {strides = array<i32>} : memref<2048xf32, #tpu.memory_space<vmem>>, vector<16xf32>,
        %add3A_109 = arith.constant 48 : i32
        %add3A_110 = arith.addi %squeeze3A, %add3A_109 : i32
        %get3A_111 = arith.index_cast %add3A_110 : i32 to index
        %get3A_112 = tpu.vector_load %arg6[%get3A_111] {strides = array<i32>} : memref<64000xf32, #tpu.memory_space<vmem>>, vector<16xf32>,
        %add3A_113 = arith.constant 0 : i32
        %add3A_114 = arith.addi %mul3A_73, %add3A_113 : i32
        %mul3A_115 = arith.constant 64 : i32
        %mul3A_116 = arith.muli %add3A_114, %mul3A_115 : i32
        %add3A_117 = arith.constant 48 : i32
        %add3A_118 = arith.addi %mul3A_116, %add3A_117 : i32
        %swap3A_119 = arith.index_cast %add3A_118 : i32 to index
        %swap3A_120 = tpu.vector_load %arg7[%swap3A_119] {strides = array<i32>} : memref<2048xf32, #tpu.memory_space<vmem>>, vector<16xf32>,
        tpu.vector_store %arg7[%swap3A_119], %get3A_112 {strides = array<i32>} : memref<2048xf32, #tpu.memory_space<vmem>>, vector<16xf32>,
        %slice3A_121 = vector.extract_strided_slice %mul3A_71 {offsets = [1], sizes = [1], strides = [1]} : vector<16xi32> to vector<1xi32>
        %squeeze3A_122 = vector.extract %slice3A_121[0] : i32 from vector<1xi32>
        %add3A_123 = arith.constant 0 : i32
        %add3A_124 = arith.addi %squeeze3A_122, %add3A_123 : i32
        %get3A_125 = arith.index_cast %add3A_124 : i32 to index
        %get3A_126 = tpu.vector_load %arg6[%get3A_125] {strides = array<i32>} : memref<64000xf32, #tpu.memory_space<vmem>>, vector<16xf32>,
        %add3A_127 = arith.constant 1 : i32
        %add3A_128 = arith.addi %mul3A_73, %add3A_127 : i32
        %mul3A_129 = arith.constant 64 : i32
        %mul3A_130 = arith.muli %add3A_128, %mul3A_129 : i32
        %add3A_131 = arith.constant 0 : i32
        %add3A_132 = arith.addi %mul3A_130, %add3A_131 : i32
        %swap3A_133 = arith.index_cast %add3A_132 : i32 to index
        %swap3A_134 = tpu.vector_load %arg7[%swap3A_133] {strides = array<i32>} : memref<2048xf32, #tpu.memory_space<vmem>>, vector<16xf32>,
        tpu.vector_store %arg7[%swap3A_133], %get3A_126 {strides = array<i32>} : memref<2048xf32, #tpu.memory_space<vmem>>, vector<16xf32>,
        %add3A_135 = arith.constant 16 : i32
        %add3A_136 = arith.addi %squeeze3A_122, %add3A_135 : i32
        %get3A_137 = arith.index_cast %add3A_136 : i32 to index
        %get3A_138 = tpu.vector_load %arg6[%get3A_137] {strides = array<i32>} : memref<64000xf32, #tpu.memory_space<vmem>>, vector<16xf32>,
        %add3A_139 = arith.constant 1 : i32
        %add3A_140 = arith.addi %mul3A_73, %add3A_139 : i32
        %mul3A_141 = arith.constant 64 : i32
        %mul3A_142 = arith.muli %add3A_140, %mul3A_141 : i32
        %add3A_143 = arith.constant 16 : i32
        %add3A_144 = arith.addi %mul3A_142, %add3A_143 : i32
        %swap3A_145 = arith.index_cast %add3A_144 : i32 to index
        %swap3A_146 = tpu.vector_load %arg7[%swap3A_145] {strides = array<i32>} : memref<2048xf32, #tpu.memory_space<vmem>>, vector<16xf32>,
        tpu.vector_store %arg7[%swap3A_145], %get3A_138 {strides = array<i32>} : memref<2048xf32, #tpu.memory_space<vmem>>, vector<16xf32>,
        %add3A_147 = arith.constant 32 : i32
        %add3A_148 = arith.addi %squeeze3A_122, %add3A_147 : i32
        %get3A_149 = arith.index_cast %add3A_148 : i32 to index
        %get3A_150 = tpu.vector_load %arg6[%get3A_149] {strides = array<i32>} : memref<64000xf32, #tpu.memory_space<vmem>>, vector<16xf32>,
        %add3A_151 = arith.constant 1 : i32
        %add3A_152 = arith.addi %mul3A_73, %add3A_151 : i32
        %mul3A_153 = arith.constant 64 : i32
        %mul3A_154 = arith.muli %add3A_152, %mul3A_153 : i32
        %add3A_155 = arith.constant 32 : i32
        %add3A_156 = arith.addi %mul3A_154, %add3A_155 : i32
        %swap3A_157 = arith.index_cast %add3A_156 : i32 to index
        %swap3A_158 = tpu.vector_load %arg7[%swap3A_157] {strides = array<i32>} : memref<2048xf32, #tpu.memory_space<vmem>>, vector<16xf32>,
        tpu.vector_store %arg7[%swap3A_157], %get3A_150 {strides = array<i32>} : memref<2048xf32, #tpu.memory_space<vmem>>, vector<16xf32>,
        %add3A_159 = arith.constant 48 : i32
        %add3A_160 = arith.addi %squeeze3A_122, %add3A_159 : i32
        %get3A_161 = arith.index_cast %add3A_160 : i32 to index
        %get3A_162 = tpu.vector_load %arg6[%get3A_161] {strides = array<i32>} : memref<64000xf32, #tpu.memory_space<vmem>>, vector<16xf32>,
        %add3A_163 = arith.constant 1 : i32
        %add3A_164 = arith.addi %mul3A_73, %add3A_163 : i32
        %mul3A_165 = arith.constant 64 : i32
        %mul3A_166 = arith.muli %add3A_164, %mul3A_165 : i32
        %add3A_167 = arith.constant 48 : i32
        %add3A_168 = arith.addi %mul3A_166, %add3A_167 : i32
        %swap3A_169 = arith.index_cast %add3A_168 : i32 to index
        %swap3A_170 = tpu.vector_load %arg7[%swap3A_169] {strides = array<i32>} : memref<2048xf32, #tpu.memory_space<vmem>>, vector<16xf32>,
        tpu.vector_store %arg7[%swap3A_169], %get3A_162 {strides = array<i32>} : memref<2048xf32, #tpu.memory_space<vmem>>, vector<16xf32>,
        %slice3A_171 = vector.extract_strided_slice %mul3A_71 {offsets = [2], sizes = [1], strides = [1]} : vector<16xi32> to vector<1xi32>
        %squeeze3A_172 = vector.extract %slice3A_171[0] : i32 from vector<1xi32>
        %add3A_173 = arith.constant 0 : i32
        %add3A_174 = arith.addi %squeeze3A_172, %add3A_173 : i32
        %get3A_175 = arith.index_cast %add3A_174 : i32 to index
        %get3A_176 = tpu.vector_load %arg6[%get3A_175] {strides = array<i32>} : memref<64000xf32, #tpu.memory_space<vmem>>, vector<16xf32>,
        %add3A_177 = arith.constant 2 : i32
        %add3A_178 = arith.addi %mul3A_73, %add3A_177 : i32
        %mul3A_179 = arith.constant 64 : i32
        %mul3A_180 = arith.muli %add3A_178, %mul3A_179 : i32
        %add3A_181 = arith.constant 0 : i32
        %add3A_182 = arith.addi %mul3A_180, %add3A_181 : i32
        %swap3A_183 = arith.index_cast %add3A_182 : i32 to index
        %swap3A_184 = tpu.vector_load %arg7[%swap3A_183] {strides = array<i32>} : memref<2048xf32, #tpu.memory_space<vmem>>, vector<16xf32>,
        tpu.vector_store %arg7[%swap3A_183], %get3A_176 {strides = array<i32>} : memref<2048xf32, #tpu.memory_space<vmem>>, vector<16xf32>,
        %add3A_185 = arith.constant 16 : i32
        %add3A_186 = arith.addi %squeeze3A_172, %add3A_185 : i32
        %get3A_187 = arith.index_cast %add3A_186 : i32 to index
        %get3A_188 = tpu.vector_load %arg6[%get3A_187] {strides = array<i32>} : memref<64000xf32, #tpu.memory_space<vmem>>, vector<16xf32>,
        %add3A_189 = arith.constant 2 : i32
        %add3A_190 = arith.addi %mul3A_73, %add3A_189 : i32
        %mul3A_191 = arith.constant 64 : i32
        %mul3A_192 = arith.muli %add3A_190, %mul3A_191 : i32
        %add3A_193 = arith.constant 16 : i32
        %add3A_194 = arith.addi %mul3A_192, %add3A_193 : i32
        %swap3A_195 = arith.index_cast %add3A_194 : i32 to index
        %swap3A_196 = tpu.vector_load %arg7[%swap3A_195] {strides = array<i32>} : memref<2048xf32, #tpu.memory_space<vmem>>, vector<16xf32>,
        tpu.vector_store %arg7[%swap3A_195], %get3A_188 {strides = array<i32>} : memref<2048xf32, #tpu.memory_space<vmem>>, vector<16xf32>,
        %add3A_197 = arith.constant 32 : i32
        %add3A_198 = arith.addi %squeeze3A_172, %add3A_197 : i32
        %get3A_199 = arith.index_cast %add3A_198 : i32 to index
        %get3A_200 = tpu.vector_load %arg6[%get3A_199] {strides = array<i32>} : memref<64000xf32, #tpu.memory_space<vmem>>, vector<16xf32>,
        %add3A_201 = arith.constant 2 : i32
        %add3A_202 = arith.addi %mul3A_73, %add3A_201 : i32
        %mul3A_203 = arith.constant 64 : i32
        %mul3A_204 = arith.muli %add3A_202, %mul3A_203 : i32
        %add3A_205 = arith.constant 32 : i32
        %add3A_206 = arith.addi %mul3A_204, %add3A_205 : i32
        %swap3A_207 = arith.index_cast %add3A_206 : i32 to index
        %swap3A_208 = tpu.vector_load %arg7[%swap3A_207] {strides = array<i32>} : memref<2048xf32, #tpu.memory_space<vmem>>, vector<16xf32>,
        tpu.vector_store %arg7[%swap3A_207], %get3A_200 {strides = array<i32>} : memref<2048xf32, #tpu.memory_space<vmem>>, vector<16xf32>,
        %add3A_209 = arith.constant 48 : i32
        %add3A_210 = arith.addi %squeeze3A_172, %add3A_209 : i32
        %get3A_211 = arith.index_cast %add3A_210 : i32 to index
        %get3A_212 = tpu.vector_load %arg6[%get3A_211] {strides = array<i32>} : memref<64000xf32, #tpu.memory_space<vmem>>, vector<16xf32>,
        %add3A_213 = arith.constant 2 : i32
        %add3A_214 = arith.addi %mul3A_73, %add3A_213 : i32
        %mul3A_215 = arith.constant 64 : i32
        %mul3A_216 = arith.muli %add3A_214, %mul3A_215 : i32
        %add3A_217 = arith.constant 48 : i32
        %add3A_218 = arith.addi %mul3A_216, %add3A_217 : i32
        %swap3A_219 = arith.index_cast %add3A_218 : i32 to index
        %swap3A_220 = tpu.vector_load %arg7[%swap3A_219] {strides = array<i32>} : memref<2048xf32, #tpu.memory_space<vmem>>, vector<16xf32>,
        tpu.vector_store %arg7[%swap3A_219], %get3A_212 {strides = array<i32>} : memref<2048xf32, #tpu.memory_space<vmem>>, vector<16xf32>,
        %slice3A_221 = vector.extract_strided_slice %mul3A_71 {offsets = [3], sizes = [1], strides = [1]} : vector<16xi32> to vector<1xi32>
        %squeeze3A_222 = vector.extract %slice3A_221[0] : i32 from vector<1xi32>
        %add3A_223 = arith.constant 0 : i32
        %add3A_224 = arith.addi %squeeze3A_222, %add3A_223 : i32
        %get3A_225 = arith.index_cast %add3A_224 : i32 to index
        %get3A_226 = tpu.vector_load %arg6[%get3A_225] {strides = array<i32>} : memref<64000xf32, #tpu.memory_space<vmem>>, vector<16xf32>,
        %add3A_227 = arith.constant 3 : i32
        %add3A_228 = arith.addi %mul3A_73, %add3A_227 : i32
        %mul3A_229 = arith.constant 64 : i32
        %mul3A_230 = arith.muli %add3A_228, %mul3A_229 : i32
        %add3A_231 = arith.constant 0 : i32
        %add3A_232 = arith.addi %mul3A_230, %add3A_231 : i32
        %swap3A_233 = arith.index_cast %add3A_232 : i32 to index
        %swap3A_234 = tpu.vector_load %arg7[%swap3A_233] {strides = array<i32>} : memref<2048xf32, #tpu.memory_space<vmem>>, vector<16xf32>,
        tpu.vector_store %arg7[%swap3A_233], %get3A_226 {strides = array<i32>} : memref<2048xf32, #tpu.memory_space<vmem>>, vector<16xf32>,
        %add3A_235 = arith.constant 16 : i32
        %add3A_236 = arith.addi %squeeze3A_222, %add3A_235 : i32
        %get3A_237 = arith.index_cast %add3A_236 : i32 to index
        %get3A_238 = tpu.vector_load %arg6[%get3A_237] {strides = array<i32>} : memref<64000xf32, #tpu.memory_space<vmem>>, vector<16xf32>,
        %add3A_239 = arith.constant 3 : i32
        %add3A_240 = arith.addi %mul3A_73, %add3A_239 : i32
        %mul3A_241 = arith.constant 64 : i32
        %mul3A_242 = arith.muli %add3A_240, %mul3A_241 : i32
        %add3A_243 = arith.constant 16 : i32
        %add3A_244 = arith.addi %mul3A_242, %add3A_243 : i32
        %swap3A_245 = arith.index_cast %add3A_244 : i32 to index
        %swap3A_246 = tpu.vector_load %arg7[%swap3A_245] {strides = array<i32>} : memref<2048xf32, #tpu.memory_space<vmem>>, vector<16xf32>,
        tpu.vector_store %arg7[%swap3A_245], %get3A_238 {strides = array<i32>} : memref<2048xf32, #tpu.memory_space<vmem>>, vector<16xf32>,
        %add3A_247 = arith.constant 32 : i32
        %add3A_248 = arith.addi %squeeze3A_222, %add3A_247 : i32
        %get3A_249 = arith.index_cast %add3A_248 : i32 to index
        %get3A_250 = tpu.vector_load %arg6[%get3A_249] {strides = array<i32>} : memref<64000xf32, #tpu.memory_space<vmem>>, vector<16xf32>,
        %add3A_251 = arith.constant 3 : i32
        %add3A_252 = arith.addi %mul3A_73, %add3A_251 : i32
        %mul3A_253 = arith.constant 64 : i32
        %mul3A_254 = arith.muli %add3A_252, %mul3A_253 : i32
        %add3A_255 = arith.constant 32 : i32
        %add3A_256 = arith.addi %mul3A_254, %add3A_255 : i32
        %swap3A_257 = arith.index_cast %add3A_256 : i32 to index
        %swap3A_258 = tpu.vector_load %arg7[%swap3A_257] {strides = array<i32>} : memref<2048xf32, #tpu.memory_space<vmem>>, vector<16xf32>,
        tpu.vector_store %arg7[%swap3A_257], %get3A_250 {strides = array<i32>} : memref<2048xf32, #tpu.memory_space<vmem>>, vector<16xf32>,
        %add3A_259 = arith.constant 48 : i32
        %add3A_260 = arith.addi %squeeze3A_222, %add3A_259 : i32
        %get3A_261 = arith.index_cast %add3A_260 : i32 to index
        %get3A_262 = tpu.vector_load %arg6[%get3A_261] {strides = array<i32>} : memref<64000xf32, #tpu.memory_space<vmem>>, vector<16xf32>,
        %add3A_263 = arith.constant 3 : i32
        %add3A_264 = arith.addi %mul3A_73, %add3A_263 : i32
        %mul3A_265 = arith.constant 64 : i32
        %mul3A_266 = arith.muli %add3A_264, %mul3A_265 : i32
        %add3A_267 = arith.constant 48 : i32
        %add3A_268 = arith.addi %mul3A_266, %add3A_267 : i32
        %swap3A_269 = arith.index_cast %add3A_268 : i32 to index
        %swap3A_270 = tpu.vector_load %arg7[%swap3A_269] {strides = array<i32>} : memref<2048xf32, #tpu.memory_space<vmem>>, vector<16xf32>,
        tpu.vector_store %arg7[%swap3A_269], %get3A_262 {strides = array<i32>} : memref<2048xf32, #tpu.memory_space<vmem>>, vector<16xf32>,
        %slice3A_271 = vector.extract_strided_slice %mul3A_71 {offsets = [4], sizes = [1], strides = [1]} : vector<16xi32> to vector<1xi32>
        %squeeze3A_272 = vector.extract %slice3A_271[0] : i32 from vector<1xi32>
        %add3A_273 = arith.constant 0 : i32
        %add3A_274 = arith.addi %squeeze3A_272, %add3A_273 : i32
        %get3A_275 = arith.index_cast %add3A_274 : i32 to index
        %get3A_276 = tpu.vector_load %arg6[%get3A_275] {strides = array<i32>} : memref<64000xf32, #tpu.memory_space<vmem>>, vector<16xf32>,
        %add3A_277 = arith.constant 4 : i32
        %add3A_278 = arith.addi %mul3A_73, %add3A_277 : i32
        %mul3A_279 = arith.constant 64 : i32
        %mul3A_280 = arith.muli %add3A_278, %mul3A_279 : i32
        %add3A_281 = arith.constant 0 : i32
        %add3A_282 = arith.addi %mul3A_280, %add3A_281 : i32
        %swap3A_283 = arith.index_cast %add3A_282 : i32 to index
        %swap3A_284 = tpu.vector_load %arg7[%swap3A_283] {strides = array<i32>} : memref<2048xf32, #tpu.memory_space<vmem>>, vector<16xf32>,
        tpu.vector_store %arg7[%swap3A_283], %get3A_276 {strides = array<i32>} : memref<2048xf32, #tpu.memory_space<vmem>>, vector<16xf32>,
        %add3A_285 = arith.constant 16 : i32
        %add3A_286 = arith.addi %squeeze3A_272, %add3A_285 : i32
        %get3A_287 = arith.index_cast %add3A_286 : i32 to index
        %get3A_288 = tpu.vector_load %arg6[%get3A_287] {strides = array<i32>} : memref<64000xf32, #tpu.memory_space<vmem>>, vector<16xf32>,
        %add3A_289 = arith.constant 4 : i32
        %add3A_290 = arith.addi %mul3A_73, %add3A_289 : i32
        %mul3A_291 = arith.constant 64 : i32
        %mul3A_292 = arith.muli %add3A_290, %mul3A_291 : i32
        %add3A_293 = arith.constant 16 : i32
        %add3A_294 = arith.addi %mul3A_292, %add3A_293 : i32
        %swap3A_295 = arith.index_cast %add3A_294 : i32 to index
        %swap3A_296 = tpu.vector_load %arg7[%swap3A_295] {strides = array<i32>} : memref<2048xf32, #tpu.memory_space<vmem>>, vector<16xf32>,
        tpu.vector_store %arg7[%swap3A_295], %get3A_288 {strides = array<i32>} : memref<2048xf32, #tpu.memory_space<vmem>>, vector<16xf32>,
        %add3A_297 = arith.constant 32 : i32
        %add3A_298 = arith.addi %squeeze3A_272, %add3A_297 : i32
        %get3A_299 = arith.index_cast %add3A_298 : i32 to index
        %get3A_300 = tpu.vector_load %arg6[%get3A_299] {strides = array<i32>} : memref<64000xf32, #tpu.memory_space<vmem>>, vector<16xf32>,
        %add3A_301 = arith.constant 4 : i32
        %add3A_302 = arith.addi %mul3A_73, %add3A_301 : i32
        %mul3A_303 = arith.constant 64 : i32
        %mul3A_304 = arith.muli %add3A_302, %mul3A_303 : i32
        %add3A_305 = arith.constant 32 : i32
        %add3A_306 = arith.addi %mul3A_304, %add3A_305 : i32
        %swap3A_307 = arith.index_cast %add3A_306 : i32 to index
        %swap3A_308 = tpu.vector_load %arg7[%swap3A_307] {strides = array<i32>} : memref<2048xf32, #tpu.memory_space<vmem>>, vector<16xf32>,
        tpu.vector_store %arg7[%swap3A_307], %get3A_300 {strides = array<i32>} : memref<2048xf32, #tpu.memory_space<vmem>>, vector<16xf32>,
        %add3A_309 = arith.constant 48 : i32
        %add3A_310 = arith.addi %squeeze3A_272, %add3A_309 : i32
        %get3A_311 = arith.index_cast %add3A_310 : i32 to index
        %get3A_312 = tpu.vector_load %arg6[%get3A_311] {strides = array<i32>} : memref<64000xf32, #tpu.memory_space<vmem>>, vector<16xf32>,
        %add3A_313 = arith.constant 4 : i32
        %add3A_314 = arith.addi %mul3A_73, %add3A_313 : i32
        %mul3A_315 = arith.constant 64 : i32
        %mul3A_316 = arith.muli %add3A_314, %mul3A_315 : i32
        %add3A_317 = arith.constant 48 : i32
        %add3A_318 = arith.addi %mul3A_316, %add3A_317 : i32
        %swap3A_319 = arith.index_cast %add3A_318 : i32 to index
        %swap3A_320 = tpu.vector_load %arg7[%swap3A_319] {strides = array<i32>} : memref<2048xf32, #tpu.memory_space<vmem>>, vector<16xf32>,
        tpu.vector_store %arg7[%swap3A_319], %get3A_312 {strides = array<i32>} : memref<2048xf32, #tpu.memory_space<vmem>>, vector<16xf32>,
        %slice3A_321 = vector.extract_strided_slice %mul3A_71 {offsets = [5], sizes = [1], strides = [1]} : vector<16xi32> to vector<1xi32>
        %squeeze3A_322 = vector.extract %slice3A_321[0] : i32 from vector<1xi32>
        %add3A_323 = arith.constant 0 : i32
        %add3A_324 = arith.addi %squeeze3A_322, %add3A_323 : i32
        %get3A_325 = arith.index_cast %add3A_324 : i32 to index
        %get3A_326 = tpu.vector_load %arg6[%get3A_325] {strides = array<i32>} : memref<64000xf32, #tpu.memory_space<vmem>>, vector<16xf32>,
        %add3A_327 = arith.constant 5 : i32
        %add3A_328 = arith.addi %mul3A_73, %add3A_327 : i32
        %mul3A_329 = arith.constant 64 : i32
        %mul3A_330 = arith.muli %add3A_328, %mul3A_329 : i32
        %add3A_331 = arith.constant 0 : i32
        %add3A_332 = arith.addi %mul3A_330, %add3A_331 : i32
        %swap3A_333 = arith.index_cast %add3A_332 : i32 to index
        %swap3A_334 = tpu.vector_load %arg7[%swap3A_333] {strides = array<i32>} : memref<2048xf32, #tpu.memory_space<vmem>>, vector<16xf32>,
        tpu.vector_store %arg7[%swap3A_333], %get3A_326 {strides = array<i32>} : memref<2048xf32, #tpu.memory_space<vmem>>, vector<16xf32>,
        %add3A_335 = arith.constant 16 : i32
        %add3A_336 = arith.addi %squeeze3A_322, %add3A_335 : i32
        %get3A_337 = arith.index_cast %add3A_336 : i32 to index
        %get3A_338 = tpu.vector_load %arg6[%get3A_337] {strides = array<i32>} : memref<64000xf32, #tpu.memory_space<vmem>>, vector<16xf32>,
        %add3A_339 = arith.constant 5 : i32
        %add3A_340 = arith.addi %mul3A_73, %add3A_339 : i32
        %mul3A_341 = arith.constant 64 : i32
        %mul3A_342 = arith.muli %add3A_340, %mul3A_341 : i32
        %add3A_343 = arith.constant 16 : i32
        %add3A_344 = arith.addi %mul3A_342, %add3A_343 : i32
        %swap3A_345 = arith.index_cast %add3A_344 : i32 to index
        %swap3A_346 = tpu.vector_load %arg7[%swap3A_345] {strides = array<i32>} : memref<2048xf32, #tpu.memory_space<vmem>>, vector<16xf32>,
        tpu.vector_store %arg7[%swap3A_345], %get3A_338 {strides = array<i32>} : memref<2048xf32, #tpu.memory_space<vmem>>, vector<16xf32>,
        %add3A_347 = arith.constant 32 : i32
        %add3A_348 = arith.addi %squeeze3A_322, %add3A_347 : i32
        %get3A_349 = arith.index_cast %add3A_348 : i32 to index
        %get3A_350 = tpu.vector_load %arg6[%get3A_349] {strides = array<i32>} : memref<64000xf32, #tpu.memory_space<vmem>>, vector<16xf32>,
        %add3A_351 = arith.constant 5 : i32
        %add3A_352 = arith.addi %mul3A_73, %add3A_351 : i32
        %mul3A_353 = arith.constant 64 : i32
        %mul3A_354 = arith.muli %add3A_352, %mul3A_353 : i32
        %add3A_355 = arith.constant 32 : i32
        %add3A_356 = arith.addi %mul3A_354, %add3A_355 : i32
        %swap3A_357 = arith.index_cast %add3A_356 : i32 to index
        %swap3A_358 = tpu.vector_load %arg7[%swap3A_357] {strides = array<i32>} : memref<2048xf32, #tpu.memory_space<vmem>>, vector<16xf32>,
        tpu.vector_store %arg7[%swap3A_357], %get3A_350 {strides = array<i32>} : memref<2048xf32, #tpu.memory_space<vmem>>, vector<16xf32>,
        %add3A_359 = arith.constant 48 : i32
        %add3A_360 = arith.addi %squeeze3A_322, %add3A_359 : i32
        %get3A_361 = arith.index_cast %add3A_360 : i32 to index
        %get3A_362 = tpu.vector_load %arg6[%get3A_361] {strides = array<i32>} : memref<64000xf32, #tpu.memory_space<vmem>>, vector<16xf32>,
        %add3A_363 = arith.constant 5 : i32
        %add3A_364 = arith.addi %mul3A_73, %add3A_363 : i32
        %mul3A_365 = arith.constant 64 : i32
        %mul3A_366 = arith.muli %add3A_364, %mul3A_365 : i32
        %add3A_367 = arith.constant 48 : i32
        %add3A_368 = arith.addi %mul3A_366, %add3A_367 : i32
        %swap3A_369 = arith.index_cast %add3A_368 : i32 to index
        %swap3A_370 = tpu.vector_load %arg7[%swap3A_369] {strides = array<i32>} : memref<2048xf32, #tpu.memory_space<vmem>>, vector<16xf32>,
        tpu.vector_store %arg7[%swap3A_369], %get3A_362 {strides = array<i32>} : memref<2048xf32, #tpu.memory_space<vmem>>, vector<16xf32>,
        %slice3A_371 = vector.extract_strided_slice %mul3A_71 {offsets = [6], sizes = [1], strides = [1]} : vector<16xi32> to vector<1xi32>
        %squeeze3A_372 = vector.extract %slice3A_371[0] : i32 from vector<1xi32>
        %add3A_373 = arith.constant 0 : i32
        %add3A_374 = arith.addi %squeeze3A_372, %add3A_373 : i32
        %get3A_375 = arith.index_cast %add3A_374 : i32 to index
        %get3A_376 = tpu.vector_load %arg6[%get3A_375] {strides = array<i32>} : memref<64000xf32, #tpu.memory_space<vmem>>, vector<16xf32>,
        %add3A_377 = arith.constant 6 : i32
        %add3A_378 = arith.addi %mul3A_73, %add3A_377 : i32
        %mul3A_379 = arith.constant 64 : i32
        %mul3A_380 = arith.muli %add3A_378, %mul3A_379 : i32
        %add3A_381 = arith.constant 0 : i32
        %add3A_382 = arith.addi %mul3A_380, %add3A_381 : i32
        %swap3A_383 = arith.index_cast %add3A_382 : i32 to index
        %swap3A_384 = tpu.vector_load %arg7[%swap3A_383] {strides = array<i32>} : memref<2048xf32, #tpu.memory_space<vmem>>, vector<16xf32>,
        tpu.vector_store %arg7[%swap3A_383], %get3A_376 {strides = array<i32>} : memref<2048xf32, #tpu.memory_space<vmem>>, vector<16xf32>,
        %add3A_385 = arith.constant 16 : i32
        %add3A_386 = arith.addi %squeeze3A_372, %add3A_385 : i32
        %get3A_387 = arith.index_cast %add3A_386 : i32 to index
        %get3A_388 = tpu.vector_load %arg6[%get3A_387] {strides = array<i32>} : memref<64000xf32, #tpu.memory_space<vmem>>, vector<16xf32>,
        %add3A_389 = arith.constant 6 : i32
        %add3A_390 = arith.addi %mul3A_73, %add3A_389 : i32
        %mul3A_391 = arith.constant 64 : i32
        %mul3A_392 = arith.muli %add3A_390, %mul3A_391 : i32
        %add3A_393 = arith.constant 16 : i32
        %add3A_394 = arith.addi %mul3A_392, %add3A_393 : i32
        %swap3A_395 = arith.index_cast %add3A_394 : i32 to index
        %swap3A_396 = tpu.vector_load %arg7[%swap3A_395] {strides = array<i32>} : memref<2048xf32, #tpu.memory_space<vmem>>, vector<16xf32>,
        tpu.vector_store %arg7[%swap3A_395], %get3A_388 {strides = array<i32>} : memref<2048xf32, #tpu.memory_space<vmem>>, vector<16xf32>,
        %add3A_397 = arith.constant 32 : i32
        %add3A_398 = arith.addi %squeeze3A_372, %add3A_397 : i32
        %get3A_399 = arith.index_cast %add3A_398 : i32 to index
        %get3A_400 = tpu.vector_load %arg6[%get3A_399] {strides = array<i32>} : memref<64000xf32, #tpu.memory_space<vmem>>, vector<16xf32>,
        %add3A_401 = arith.constant 6 : i32
        %add3A_402 = arith.addi %mul3A_73, %add3A_401 : i32
        %mul3A_403 = arith.constant 64 : i32
        %mul3A_404 = arith.muli %add3A_402, %mul3A_403 : i32
        %add3A_405 = arith.constant 32 : i32
        %add3A_406 = arith.addi %mul3A_404, %add3A_405 : i32
        %swap3A_407 = arith.index_cast %add3A_406 : i32 to index
        %swap3A_408 = tpu.vector_load %arg7[%swap3A_407] {strides = array<i32>} : memref<2048xf32, #tpu.memory_space<vmem>>, vector<16xf32>,
        tpu.vector_store %arg7[%swap3A_407], %get3A_400 {strides = array<i32>} : memref<2048xf32, #tpu.memory_space<vmem>>, vector<16xf32>,
        %add3A_409 = arith.constant 48 : i32
        %add3A_410 = arith.addi %squeeze3A_372, %add3A_409 : i32
        %get3A_411 = arith.index_cast %add3A_410 : i32 to index
        %get3A_412 = tpu.vector_load %arg6[%get3A_411] {strides = array<i32>} : memref<64000xf32, #tpu.memory_space<vmem>>, vector<16xf32>,
        %add3A_413 = arith.constant 6 : i32
        %add3A_414 = arith.addi %mul3A_73, %add3A_413 : i32
        %mul3A_415 = arith.constant 64 : i32
        %mul3A_416 = arith.muli %add3A_414, %mul3A_415 : i32
        %add3A_417 = arith.constant 48 : i32
        %add3A_418 = arith.addi %mul3A_416, %add3A_417 : i32
        %swap3A_419 = arith.index_cast %add3A_418 : i32 to index
        %swap3A_420 = tpu.vector_load %arg7[%swap3A_419] {strides = array<i32>} : memref<2048xf32, #tpu.memory_space<vmem>>, vector<16xf32>,
        tpu.vector_store %arg7[%swap3A_419], %get3A_412 {strides = array<i32>} : memref<2048xf32, #tpu.memory_space<vmem>>, vector<16xf32>,
        %slice3A_421 = vector.extract_strided_slice %mul3A_71 {offsets = [7], sizes = [1], strides = [1]} : vector<16xi32> to vector<1xi32>
        %squeeze3A_422 = vector.extract %slice3A_421[0] : i32 from vector<1xi32>
        %add3A_423 = arith.constant 0 : i32
        %add3A_424 = arith.addi %squeeze3A_422, %add3A_423 : i32
        %get3A_425 = arith.index_cast %add3A_424 : i32 to index
        %get3A_426 = tpu.vector_load %arg6[%get3A_425] {strides = array<i32>} : memref<64000xf32, #tpu.memory_space<vmem>>, vector<16xf32>,
        %add3A_427 = arith.constant 7 : i32
        %add3A_428 = arith.addi %mul3A_73, %add3A_427 : i32
        %mul3A_429 = arith.constant 64 : i32
        %mul3A_430 = arith.muli %add3A_428, %mul3A_429 : i32
        %add3A_431 = arith.constant 0 : i32
        %add3A_432 = arith.addi %mul3A_430, %add3A_431 : i32
        %swap3A_433 = arith.index_cast %add3A_432 : i32 to index
        %swap3A_434 = tpu.vector_load %arg7[%swap3A_433] {strides = array<i32>} : memref<2048xf32, #tpu.memory_space<vmem>>, vector<16xf32>,
        tpu.vector_store %arg7[%swap3A_433], %get3A_426 {strides = array<i32>} : memref<2048xf32, #tpu.memory_space<vmem>>, vector<16xf32>,
        %add3A_435 = arith.constant 16 : i32
        %add3A_436 = arith.addi %squeeze3A_422, %add3A_435 : i32
        %get3A_437 = arith.index_cast %add3A_436 : i32 to index
        %get3A_438 = tpu.vector_load %arg6[%get3A_437] {strides = array<i32>} : memref<64000xf32, #tpu.memory_space<vmem>>, vector<16xf32>,
        %add3A_439 = arith.constant 7 : i32
        %add3A_440 = arith.addi %mul3A_73, %add3A_439 : i32
        %mul3A_441 = arith.constant 64 : i32
        %mul3A_442 = arith.muli %add3A_440, %mul3A_441 : i32
        %add3A_443 = arith.constant 16 : i32
        %add3A_444 = arith.addi %mul3A_442, %add3A_443 : i32
        %swap3A_445 = arith.index_cast %add3A_444 : i32 to index
        %swap3A_446 = tpu.vector_load %arg7[%swap3A_445] {strides = array<i32>} : memref<2048xf32, #tpu.memory_space<vmem>>, vector<16xf32>,
        tpu.vector_store %arg7[%swap3A_445], %get3A_438 {strides = array<i32>} : memref<2048xf32, #tpu.memory_space<vmem>>, vector<16xf32>,
        %add3A_447 = arith.constant 32 : i32
        %add3A_448 = arith.addi %squeeze3A_422, %add3A_447 : i32
        %get3A_449 = arith.index_cast %add3A_448 : i32 to index
        %get3A_450 = tpu.vector_load %arg6[%get3A_449] {strides = array<i32>} : memref<64000xf32, #tpu.memory_space<vmem>>, vector<16xf32>,
        %add3A_451 = arith.constant 7 : i32
        %add3A_452 = arith.addi %mul3A_73, %add3A_451 : i32
        %mul3A_453 = arith.constant 64 : i32
        %mul3A_454 = arith.muli %add3A_452, %mul3A_453 : i32
        %add3A_455 = arith.constant 32 : i32
        %add3A_456 = arith.addi %mul3A_454, %add3A_455 : i32
        %swap3A_457 = arith.index_cast %add3A_456 : i32 to index
        %swap3A_458 = tpu.vector_load %arg7[%swap3A_457] {strides = array<i32>} : memref<2048xf32, #tpu.memory_space<vmem>>, vector<16xf32>,
        tpu.vector_store %arg7[%swap3A_457], %get3A_450 {strides = array<i32>} : memref<2048xf32, #tpu.memory_space<vmem>>, vector<16xf32>,
        %add3A_459 = arith.constant 48 : i32
        %add3A_460 = arith.addi %squeeze3A_422, %add3A_459 : i32
        %get3A_461 = arith.index_cast %add3A_460 : i32 to index
        %get3A_462 = tpu.vector_load %arg6[%get3A_461] {strides = array<i32>} : memref<64000xf32, #tpu.memory_space<vmem>>, vector<16xf32>,
        %add3A_463 = arith.constant 7 : i32
        %add3A_464 = arith.addi %mul3A_73, %add3A_463 : i32
        %mul3A_465 = arith.constant 64 : i32
        %mul3A_466 = arith.muli %add3A_464, %mul3A_465 : i32
        %add3A_467 = arith.constant 48 : i32
        %add3A_468 = arith.addi %mul3A_466, %add3A_467 : i32
        %swap3A_469 = arith.index_cast %add3A_468 : i32 to index
        %swap3A_470 = tpu.vector_load %arg7[%swap3A_469] {strides = array<i32>} : memref<2048xf32, #tpu.memory_space<vmem>>, vector<16xf32>,
        tpu.vector_store %arg7[%swap3A_469], %get3A_462 {strides = array<i32>} : memref<2048xf32, #tpu.memory_space<vmem>>, vector<16xf32>,
        %slice3A_471 = vector.extract_strided_slice %mul3A_71 {offsets = [8], sizes = [1], strides = [1]} : vector<16xi32> to vector<1xi32>
        %squeeze3A_472 = vector.extract %slice3A_471[0] : i32 from vector<1xi32>
        %add3A_473 = arith.constant 0 : i32
        %add3A_474 = arith.addi %squeeze3A_472, %add3A_473 : i32
        %get3A_475 = arith.index_cast %add3A_474 : i32 to index
        %get3A_476 = tpu.vector_load %arg6[%get3A_475] {strides = array<i32>} : memref<64000xf32, #tpu.memory_space<vmem>>, vector<16xf32>,
        %add3A_477 = arith.constant 8 : i32
        %add3A_478 = arith.addi %mul3A_73, %add3A_477 : i32
        %mul3A_479 = arith.constant 64 : i32
        %mul3A_480 = arith.muli %add3A_478, %mul3A_479 : i32
        %add3A_481 = arith.constant 0 : i32
        %add3A_482 = arith.addi %mul3A_480, %add3A_481 : i32
        %swap3A_483 = arith.index_cast %add3A_482 : i32 to index
        %swap3A_484 = tpu.vector_load %arg7[%swap3A_483] {strides = array<i32>} : memref<2048xf32, #tpu.memory_space<vmem>>, vector<16xf32>,
        tpu.vector_store %arg7[%swap3A_483], %get3A_476 {strides = array<i32>} : memref<2048xf32, #tpu.memory_space<vmem>>, vector<16xf32>,
        %add3A_485 = arith.constant 16 : i32
        %add3A_486 = arith.addi %squeeze3A_472, %add3A_485 : i32
        %get3A_487 = arith.index_cast %add3A_486 : i32 to index
        %get3A_488 = tpu.vector_load %arg6[%get3A_487] {strides = array<i32>} : memref<64000xf32, #tpu.memory_space<vmem>>, vector<16xf32>,
        %add3A_489 = arith.constant 8 : i32
        %add3A_490 = arith.addi %mul3A_73, %add3A_489 : i32
        %mul3A_491 = arith.constant 64 : i32
        %mul3A_492 = arith.muli %add3A_490, %mul3A_491 : i32
        %add3A_493 = arith.constant 16 : i32
        %add3A_494 = arith.addi %mul3A_492, %add3A_493 : i32
        %swap3A_495 = arith.index_cast %add3A_494 : i32 to index
        %swap3A_496 = tpu.vector_load %arg7[%swap3A_495] {strides = array<i32>} : memref<2048xf32, #tpu.memory_space<vmem>>, vector<16xf32>,
        tpu.vector_store %arg7[%swap3A_495], %get3A_488 {strides = array<i32>} : memref<2048xf32, #tpu.memory_space<vmem>>, vector<16xf32>,
        %add3A_497 = arith.constant 32 : i32
        %add3A_498 = arith.addi %squeeze3A_472, %add3A_497 : i32
        %get3A_499 = arith.index_cast %add3A_498 : i32 to index
        %get3A_500 = tpu.vector_load %arg6[%get3A_499] {strides = array<i32>} : memref<64000xf32, #tpu.memory_space<vmem>>, vector<16xf32>,
        %add3A_501 = arith.constant 8 : i32
        %add3A_502 = arith.addi %mul3A_73, %add3A_501 : i32
        %mul3A_503 = arith.constant 64 : i32
        %mul3A_504 = arith.muli %add3A_502, %mul3A_503 : i32
        %add3A_505 = arith.constant 32 : i32
        %add3A_506 = arith.addi %mul3A_504, %add3A_505 : i32
        %swap3A_507 = arith.index_cast %add3A_506 : i32 to index
        %swap3A_508 = tpu.vector_load %arg7[%swap3A_507] {strides = array<i32>} : memref<2048xf32, #tpu.memory_space<vmem>>, vector<16xf32>,
        tpu.vector_store %arg7[%swap3A_507], %get3A_500 {strides = array<i32>} : memref<2048xf32, #tpu.memory_space<vmem>>, vector<16xf32>,
        %add3A_509 = arith.constant 48 : i32
        %add3A_510 = arith.addi %squeeze3A_472, %add3A_509 : i32
        %get3A_511 = arith.index_cast %add3A_510 : i32 to index
        %get3A_512 = tpu.vector_load %arg6[%get3A_511] {strides = array<i32>} : memref<64000xf32, #tpu.memory_space<vmem>>, vector<16xf32>,
        %add3A_513 = arith.constant 8 : i32
        %add3A_514 = arith.addi %mul3A_73, %add3A_513 : i32
        %mul3A_515 = arith.constant 64 : i32
        %mul3A_516 = arith.muli %add3A_514, %mul3A_515 : i32
        %add3A_517 = arith.constant 48 : i32
        %add3A_518 = arith.addi %mul3A_516, %add3A_517 : i32
        %swap3A_519 = arith.index_cast %add3A_518 : i32 to index
        %swap3A_520 = tpu.vector_load %arg7[%swap3A_519] {strides = array<i32>} : memref<2048xf32, #tpu.memory_space<vmem>>, vector<16xf32>,
        tpu.vector_store %arg7[%swap3A_519], %get3A_512 {strides = array<i32>} : memref<2048xf32, #tpu.memory_space<vmem>>, vector<16xf32>,
        %slice3A_521 = vector.extract_strided_slice %mul3A_71 {offsets = [9], sizes = [1], strides = [1]} : vector<16xi32> to vector<1xi32>
        %squeeze3A_522 = vector.extract %slice3A_521[0] : i32 from vector<1xi32>
        %add3A_523 = arith.constant 0 : i32
        %add3A_524 = arith.addi %squeeze3A_522, %add3A_523 : i32
        %get3A_525 = arith.index_cast %add3A_524 : i32 to index
        %get3A_526 = tpu.vector_load %arg6[%get3A_525] {strides = array<i32>} : memref<64000xf32, #tpu.memory_space<vmem>>, vector<16xf32>,
        %add3A_527 = arith.constant 9 : i32
        %add3A_528 = arith.addi %mul3A_73, %add3A_527 : i32
        %mul3A_529 = arith.constant 64 : i32
        %mul3A_530 = arith.muli %add3A_528, %mul3A_529 : i32
        %add3A_531 = arith.constant 0 : i32
        %add3A_532 = arith.addi %mul3A_530, %add3A_531 : i32
        %swap3A_533 = arith.index_cast %add3A_532 : i32 to index
        %swap3A_534 = tpu.vector_load %arg7[%swap3A_533] {strides = array<i32>} : memref<2048xf32, #tpu.memory_space<vmem>>, vector<16xf32>,
        tpu.vector_store %arg7[%swap3A_533], %get3A_526 {strides = array<i32>} : memref<2048xf32, #tpu.memory_space<vmem>>, vector<16xf32>,
        %add3A_535 = arith.constant 16 : i32
        %add3A_536 = arith.addi %squeeze3A_522, %add3A_535 : i32
        %get3A_537 = arith.index_cast %add3A_536 : i32 to index
        %get3A_538 = tpu.vector_load %arg6[%get3A_537] {strides = array<i32>} : memref<64000xf32, #tpu.memory_space<vmem>>, vector<16xf32>,
        %add3A_539 = arith.constant 9 : i32
        %add3A_540 = arith.addi %mul3A_73, %add3A_539 : i32
        %mul3A_541 = arith.constant 64 : i32
        %mul3A_542 = arith.muli %add3A_540, %mul3A_541 : i32
        %add3A_543 = arith.constant 16 : i32
        %add3A_544 = arith.addi %mul3A_542, %add3A_543 : i32
        %swap3A_545 = arith.index_cast %add3A_544 : i32 to index
        %swap3A_546 = tpu.vector_load %arg7[%swap3A_545] {strides = array<i32>} : memref<2048xf32, #tpu.memory_space<vmem>>, vector<16xf32>,
        tpu.vector_store %arg7[%swap3A_545], %get3A_538 {strides = array<i32>} : memref<2048xf32, #tpu.memory_space<vmem>>, vector<16xf32>,
        %add3A_547 = arith.constant 32 : i32
        %add3A_548 = arith.addi %squeeze3A_522, %add3A_547 : i32
        %get3A_549 = arith.index_cast %add3A_548 : i32 to index
        %get3A_550 = tpu.vector_load %arg6[%get3A_549] {strides = array<i32>} : memref<64000xf32, #tpu.memory_space<vmem>>, vector<16xf32>,
        %add3A_551 = arith.constant 9 : i32
        %add3A_552 = arith.addi %mul3A_73, %add3A_551 : i32
        %mul3A_553 = arith.constant 64 : i32
        %mul3A_554 = arith.muli %add3A_552, %mul3A_553 : i32
        %add3A_555 = arith.constant 32 : i32
        %add3A_556 = arith.addi %mul3A_554, %add3A_555 : i32
        %swap3A_557 = arith.index_cast %add3A_556 : i32 to index
        %swap3A_558 = tpu.vector_load %arg7[%swap3A_557] {strides = array<i32>} : memref<2048xf32, #tpu.memory_space<vmem>>, vector<16xf32>,
        tpu.vector_store %arg7[%swap3A_557], %get3A_550 {strides = array<i32>} : memref<2048xf32, #tpu.memory_space<vmem>>, vector<16xf32>,
        %add3A_559 = arith.constant 48 : i32
        %add3A_560 = arith.addi %squeeze3A_522, %add3A_559 : i32
        %get3A_561 = arith.index_cast %add3A_560 : i32 to index
        %get3A_562 = tpu.vector_load %arg6[%get3A_561] {strides = array<i32>} : memref<64000xf32, #tpu.memory_space<vmem>>, vector<16xf32>,
        %add3A_563 = arith.constant 9 : i32
        %add3A_564 = arith.addi %mul3A_73, %add3A_563 : i32
        %mul3A_565 = arith.constant 64 : i32
        %mul3A_566 = arith.muli %add3A_564, %mul3A_565 : i32
        %add3A_567 = arith.constant 48 : i32
        %add3A_568 = arith.addi %mul3A_566, %add3A_567 : i32
        %swap3A_569 = arith.index_cast %add3A_568 : i32 to index
        %swap3A_570 = tpu.vector_load %arg7[%swap3A_569] {strides = array<i32>} : memref<2048xf32, #tpu.memory_space<vmem>>, vector<16xf32>,
        tpu.vector_store %arg7[%swap3A_569], %get3A_562 {strides = array<i32>} : memref<2048xf32, #tpu.memory_space<vmem>>, vector<16xf32>,
        %slice3A_571 = vector.extract_strided_slice %mul3A_71 {offsets = [10], sizes = [1], strides = [1]} : vector<16xi32> to vector<1xi32>
        %squeeze3A_572 = vector.extract %slice3A_571[0] : i32 from vector<1xi32>
        %add3A_573 = arith.constant 0 : i32
        %add3A_574 = arith.addi %squeeze3A_572, %add3A_573 : i32
        %get3A_575 = arith.index_cast %add3A_574 : i32 to index
        %get3A_576 = tpu.vector_load %arg6[%get3A_575] {strides = array<i32>} : memref<64000xf32, #tpu.memory_space<vmem>>, vector<16xf32>,
        %add3A_577 = arith.constant 10 : i32
        %add3A_578 = arith.addi %mul3A_73, %add3A_577 : i32
        %mul3A_579 = arith.constant 64 : i32
        %mul3A_580 = arith.muli %add3A_578, %mul3A_579 : i32
        %add3A_581 = arith.constant 0 : i32
        %add3A_582 = arith.addi %mul3A_580, %add3A_581 : i32
        %swap3A_583 = arith.index_cast %add3A_582 : i32 to index
        %swap3A_584 = tpu.vector_load %arg7[%swap3A_583] {strides = array<i32>} : memref<2048xf32, #tpu.memory_space<vmem>>, vector<16xf32>,
        tpu.vector_store %arg7[%swap3A_583], %get3A_576 {strides = array<i32>} : memref<2048xf32, #tpu.memory_space<vmem>>, vector<16xf32>,
        %add3A_585 = arith.constant 16 : i32
        %add3A_586 = arith.addi %squeeze3A_572, %add3A_585 : i32
        %get3A_587 = arith.index_cast %add3A_586 : i32 to index
        %get3A_588 = tpu.vector_load %arg6[%get3A_587] {strides = array<i32>} : memref<64000xf32, #tpu.memory_space<vmem>>, vector<16xf32>,
        %add3A_589 = arith.constant 10 : i32
        %add3A_590 = arith.addi %mul3A_73, %add3A_589 : i32
        %mul3A_591 = arith.constant 64 : i32
        %mul3A_592 = arith.muli %add3A_590, %mul3A_591 : i32
        %add3A_593 = arith.constant 16 : i32
        %add3A_594 = arith.addi %mul3A_592, %add3A_593 : i32
        %swap3A_595 = arith.index_cast %add3A_594 : i32 to index
        %swap3A_596 = tpu.vector_load %arg7[%swap3A_595] {strides = array<i32>} : memref<2048xf32, #tpu.memory_space<vmem>>, vector<16xf32>,
        tpu.vector_store %arg7[%swap3A_595], %get3A_588 {strides = array<i32>} : memref<2048xf32, #tpu.memory_space<vmem>>, vector<16xf32>,
        %add3A_597 = arith.constant 32 : i32
        %add3A_598 = arith.addi %squeeze3A_572, %add3A_597 : i32
        %get3A_599 = arith.index_cast %add3A_598 : i32 to index
        %get3A_600 = tpu.vector_load %arg6[%get3A_599] {strides = array<i32>} : memref<64000xf32, #tpu.memory_space<vmem>>, vector<16xf32>,
        %add3A_601 = arith.constant 10 : i32
        %add3A_602 = arith.addi %mul3A_73, %add3A_601 : i32
        %mul3A_603 = arith.constant 64 : i32
        %mul3A_604 = arith.muli %add3A_602, %mul3A_603 : i32
        %add3A_605 = arith.constant 32 : i32
        %add3A_606 = arith.addi %mul3A_604, %add3A_605 : i32
        %swap3A_607 = arith.index_cast %add3A_606 : i32 to index
        %swap3A_608 = tpu.vector_load %arg7[%swap3A_607] {strides = array<i32>} : memref<2048xf32, #tpu.memory_space<vmem>>, vector<16xf32>,
        tpu.vector_store %arg7[%swap3A_607], %get3A_600 {strides = array<i32>} : memref<2048xf32, #tpu.memory_space<vmem>>, vector<16xf32>,
        %add3A_609 = arith.constant 48 : i32
        %add3A_610 = arith.addi %squeeze3A_572, %add3A_609 : i32
        %get3A_611 = arith.index_cast %add3A_610 : i32 to index
        %get3A_612 = tpu.vector_load %arg6[%get3A_611] {strides = array<i32>} : memref<64000xf32, #tpu.memory_space<vmem>>, vector<16xf32>,
        %add3A_613 = arith.constant 10 : i32
        %add3A_614 = arith.addi %mul3A_73, %add3A_613 : i32
        %mul3A_615 = arith.constant 64 : i32
        %mul3A_616 = arith.muli %add3A_614, %mul3A_615 : i32
        %add3A_617 = arith.constant 48 : i32
        %add3A_618 = arith.addi %mul3A_616, %add3A_617 : i32
        %swap3A_619 = arith.index_cast %add3A_618 : i32 to index
        %swap3A_620 = tpu.vector_load %arg7[%swap3A_619] {strides = array<i32>} : memref<2048xf32, #tpu.memory_space<vmem>>, vector<16xf32>,
        tpu.vector_store %arg7[%swap3A_619], %get3A_612 {strides = array<i32>} : memref<2048xf32, #tpu.memory_space<vmem>>, vector<16xf32>,
        %slice3A_621 = vector.extract_strided_slice %mul3A_71 {offsets = [11], sizes = [1], strides = [1]} : vector<16xi32> to vector<1xi32>
        %squeeze3A_622 = vector.extract %slice3A_621[0] : i32 from vector<1xi32>
        %add3A_623 = arith.constant 0 : i32
        %add3A_624 = arith.addi %squeeze3A_622, %add3A_623 : i32
        %get3A_625 = arith.index_cast %add3A_624 : i32 to index
        %get3A_626 = tpu.vector_load %arg6[%get3A_625] {strides = array<i32>} : memref<64000xf32, #tpu.memory_space<vmem>>, vector<16xf32>,
        %add3A_627 = arith.constant 11 : i32
        %add3A_628 = arith.addi %mul3A_73, %add3A_627 : i32
        %mul3A_629 = arith.constant 64 : i32
        %mul3A_630 = arith.muli %add3A_628, %mul3A_629 : i32
        %add3A_631 = arith.constant 0 : i32
        %add3A_632 = arith.addi %mul3A_630, %add3A_631 : i32
        %swap3A_633 = arith.index_cast %add3A_632 : i32 to index
        %swap3A_634 = tpu.vector_load %arg7[%swap3A_633] {strides = array<i32>} : memref<2048xf32, #tpu.memory_space<vmem>>, vector<16xf32>,
        tpu.vector_store %arg7[%swap3A_633], %get3A_626 {strides = array<i32>} : memref<2048xf32, #tpu.memory_space<vmem>>, vector<16xf32>,
        %add3A_635 = arith.constant 16 : i32
        %add3A_636 = arith.addi %squeeze3A_622, %add3A_635 : i32
        %get3A_637 = arith.index_cast %add3A_636 : i32 to index
        %get3A_638 = tpu.vector_load %arg6[%get3A_637] {strides = array<i32>} : memref<64000xf32, #tpu.memory_space<vmem>>, vector<16xf32>,
        %add3A_639 = arith.constant 11 : i32
        %add3A_640 = arith.addi %mul3A_73, %add3A_639 : i32
        %mul3A_641 = arith.constant 64 : i32
        %mul3A_642 = arith.muli %add3A_640, %mul3A_641 : i32
        %add3A_643 = arith.constant 16 : i32
        %add3A_644 = arith.addi %mul3A_642, %add3A_643 : i32
        %swap3A_645 = arith.index_cast %add3A_644 : i32 to index
        %swap3A_646 = tpu.vector_load %arg7[%swap3A_645] {strides = array<i32>} : memref<2048xf32, #tpu.memory_space<vmem>>, vector<16xf32>,
        tpu.vector_store %arg7[%swap3A_645], %get3A_638 {strides = array<i32>} : memref<2048xf32, #tpu.memory_space<vmem>>, vector<16xf32>,
        %add3A_647 = arith.constant 32 : i32
        %add3A_648 = arith.addi %squeeze3A_622, %add3A_647 : i32
        %get3A_649 = arith.index_cast %add3A_648 : i32 to index
        %get3A_650 = tpu.vector_load %arg6[%get3A_649] {strides = array<i32>} : memref<64000xf32, #tpu.memory_space<vmem>>, vector<16xf32>,
        %add3A_651 = arith.constant 11 : i32
        %add3A_652 = arith.addi %mul3A_73, %add3A_651 : i32
        %mul3A_653 = arith.constant 64 : i32
        %mul3A_654 = arith.muli %add3A_652, %mul3A_653 : i32
        %add3A_655 = arith.constant 32 : i32
        %add3A_656 = arith.addi %mul3A_654, %add3A_655 : i32
        %swap3A_657 = arith.index_cast %add3A_656 : i32 to index
        %swap3A_658 = tpu.vector_load %arg7[%swap3A_657] {strides = array<i32>} : memref<2048xf32, #tpu.memory_space<vmem>>, vector<16xf32>,
        tpu.vector_store %arg7[%swap3A_657], %get3A_650 {strides = array<i32>} : memref<2048xf32, #tpu.memory_space<vmem>>, vector<16xf32>,
        %add3A_659 = arith.constant 48 : i32
        %add3A_660 = arith.addi %squeeze3A_622, %add3A_659 : i32
        %get3A_661 = arith.index_cast %add3A_660 : i32 to index
        %get3A_662 = tpu.vector_load %arg6[%get3A_661] {strides = array<i32>} : memref<64000xf32, #tpu.memory_space<vmem>>, vector<16xf32>,
        %add3A_663 = arith.constant 11 : i32
        %add3A_664 = arith.addi %mul3A_73, %add3A_663 : i32
        %mul3A_665 = arith.constant 64 : i32
        %mul3A_666 = arith.muli %add3A_664, %mul3A_665 : i32
        %add3A_667 = arith.constant 48 : i32
        %add3A_668 = arith.addi %mul3A_666, %add3A_667 : i32
        %swap3A_669 = arith.index_cast %add3A_668 : i32 to index
        %swap3A_670 = tpu.vector_load %arg7[%swap3A_669] {strides = array<i32>} : memref<2048xf32, #tpu.memory_space<vmem>>, vector<16xf32>,
        tpu.vector_store %arg7[%swap3A_669], %get3A_662 {strides = array<i32>} : memref<2048xf32, #tpu.memory_space<vmem>>, vector<16xf32>,
        %slice3A_671 = vector.extract_strided_slice %mul3A_71 {offsets = [12], sizes = [1], strides = [1]} : vector<16xi32> to vector<1xi32>
        %squeeze3A_672 = vector.extract %slice3A_671[0] : i32 from vector<1xi32>
        %add3A_673 = arith.constant 0 : i32
        %add3A_674 = arith.addi %squeeze3A_672, %add3A_673 : i32
        %get3A_675 = arith.index_cast %add3A_674 : i32 to index
        %get3A_676 = tpu.vector_load %arg6[%get3A_675] {strides = array<i32>} : memref<64000xf32, #tpu.memory_space<vmem>>, vector<16xf32>,
        %add3A_677 = arith.constant 12 : i32
        %add3A_678 = arith.addi %mul3A_73, %add3A_677 : i32
        %mul3A_679 = arith.constant 64 : i32
        %mul3A_680 = arith.muli %add3A_678, %mul3A_679 : i32
        %add3A_681 = arith.constant 0 : i32
        %add3A_682 = arith.addi %mul3A_680, %add3A_681 : i32
        %swap3A_683 = arith.index_cast %add3A_682 : i32 to index
        %swap3A_684 = tpu.vector_load %arg7[%swap3A_683] {strides = array<i32>} : memref<2048xf32, #tpu.memory_space<vmem>>, vector<16xf32>,
        tpu.vector_store %arg7[%swap3A_683], %get3A_676 {strides = array<i32>} : memref<2048xf32, #tpu.memory_space<vmem>>, vector<16xf32>,
        %add3A_685 = arith.constant 16 : i32
        %add3A_686 = arith.addi %squeeze3A_672, %add3A_685 : i32
        %get3A_687 = arith.index_cast %add3A_686 : i32 to index
        %get3A_688 = tpu.vector_load %arg6[%get3A_687] {strides = array<i32>} : memref<64000xf32, #tpu.memory_space<vmem>>, vector<16xf32>,
        %add3A_689 = arith.constant 12 : i32
        %add3A_690 = arith.addi %mul3A_73, %add3A_689 : i32
        %mul3A_691 = arith.constant 64 : i32
        %mul3A_692 = arith.muli %add3A_690, %mul3A_691 : i32
        %add3A_693 = arith.constant 16 : i32
        %add3A_694 = arith.addi %mul3A_692, %add3A_693 : i32
        %swap3A_695 = arith.index_cast %add3A_694 : i32 to index
        %swap3A_696 = tpu.vector_load %arg7[%swap3A_695] {strides = array<i32>} : memref<2048xf32, #tpu.memory_space<vmem>>, vector<16xf32>,
        tpu.vector_store %arg7[%swap3A_695], %get3A_688 {strides = array<i32>} : memref<2048xf32, #tpu.memory_space<vmem>>, vector<16xf32>,
        %add3A_697 = arith.constant 32 : i32
        %add3A_698 = arith.addi %squeeze3A_672, %add3A_697 : i32
        %get3A_699 = arith.index_cast %add3A_698 : i32 to index
        %get3A_700 = tpu.vector_load %arg6[%get3A_699] {strides = array<i32>} : memref<64000xf32, #tpu.memory_space<vmem>>, vector<16xf32>,
        %add3A_701 = arith.constant 12 : i32
        %add3A_702 = arith.addi %mul3A_73, %add3A_701 : i32
        %mul3A_703 = arith.constant 64 : i32
        %mul3A_704 = arith.muli %add3A_702, %mul3A_703 : i32
        %add3A_705 = arith.constant 32 : i32
        %add3A_706 = arith.addi %mul3A_704, %add3A_705 : i32
        %swap3A_707 = arith.index_cast %add3A_706 : i32 to index
        %swap3A_708 = tpu.vector_load %arg7[%swap3A_707] {strides = array<i32>} : memref<2048xf32, #tpu.memory_space<vmem>>, vector<16xf32>,
        tpu.vector_store %arg7[%swap3A_707], %get3A_700 {strides = array<i32>} : memref<2048xf32, #tpu.memory_space<vmem>>, vector<16xf32>,
        %add3A_709 = arith.constant 48 : i32
        %add3A_710 = arith.addi %squeeze3A_672, %add3A_709 : i32
        %get3A_711 = arith.index_cast %add3A_710 : i32 to index
        %get3A_712 = tpu.vector_load %arg6[%get3A_711] {strides = array<i32>} : memref<64000xf32, #tpu.memory_space<vmem>>, vector<16xf32>,
        %add3A_713 = arith.constant 12 : i32
        %add3A_714 = arith.addi %mul3A_73, %add3A_713 : i32
        %mul3A_715 = arith.constant 64 : i32
        %mul3A_716 = arith.muli %add3A_714, %mul3A_715 : i32
        %add3A_717 = arith.constant 48 : i32
        %add3A_718 = arith.addi %mul3A_716, %add3A_717 : i32
        %swap3A_719 = arith.index_cast %add3A_718 : i32 to index
        %swap3A_720 = tpu.vector_load %arg7[%swap3A_719] {strides = array<i32>} : memref<2048xf32, #tpu.memory_space<vmem>>, vector<16xf32>,
        tpu.vector_store %arg7[%swap3A_719], %get3A_712 {strides = array<i32>} : memref<2048xf32, #tpu.memory_space<vmem>>, vector<16xf32>,
        %slice3A_721 = vector.extract_strided_slice %mul3A_71 {offsets = [13], sizes = [1], strides = [1]} : vector<16xi32> to vector<1xi32>
        %squeeze3A_722 = vector.extract %slice3A_721[0] : i32 from vector<1xi32>
        %add3A_723 = arith.constant 0 : i32
        %add3A_724 = arith.addi %squeeze3A_722, %add3A_723 : i32
        %get3A_725 = arith.index_cast %add3A_724 : i32 to index
        %get3A_726 = tpu.vector_load %arg6[%get3A_725] {strides = array<i32>} : memref<64000xf32, #tpu.memory_space<vmem>>, vector<16xf32>,
        %add3A_727 = arith.constant 13 : i32
        %add3A_728 = arith.addi %mul3A_73, %add3A_727 : i32
        %mul3A_729 = arith.constant 64 : i32
        %mul3A_730 = arith.muli %add3A_728, %mul3A_729 : i32
        %add3A_731 = arith.constant 0 : i32
        %add3A_732 = arith.addi %mul3A_730, %add3A_731 : i32
        %swap3A_733 = arith.index_cast %add3A_732 : i32 to index
        %swap3A_734 = tpu.vector_load %arg7[%swap3A_733] {strides = array<i32>} : memref<2048xf32, #tpu.memory_space<vmem>>, vector<16xf32>,
        tpu.vector_store %arg7[%swap3A_733], %get3A_726 {strides = array<i32>} : memref<2048xf32, #tpu.memory_space<vmem>>, vector<16xf32>,
        %add3A_735 = arith.constant 16 : i32
        %add3A_736 = arith.addi %squeeze3A_722, %add3A_735 : i32
        %get3A_737 = arith.index_cast %add3A_736 : i32 to index
        %get3A_738 = tpu.vector_load %arg6[%get3A_737] {strides = array<i32>} : memref<64000xf32, #tpu.memory_space<vmem>>, vector<16xf32>,
        %add3A_739 = arith.constant 13 : i32
        %add3A_740 = arith.addi %mul3A_73, %add3A_739 : i32
        %mul3A_741 = arith.constant 64 : i32
        %mul3A_742 = arith.muli %add3A_740, %mul3A_741 : i32
        %add3A_743 = arith.constant 16 : i32
        %add3A_744 = arith.addi %mul3A_742, %add3A_743 : i32
        %swap3A_745 = arith.index_cast %add3A_744 : i32 to index
        %swap3A_746 = tpu.vector_load %arg7[%swap3A_745] {strides = array<i32>} : memref<2048xf32, #tpu.memory_space<vmem>>, vector<16xf32>,
        tpu.vector_store %arg7[%swap3A_745], %get3A_738 {strides = array<i32>} : memref<2048xf32, #tpu.memory_space<vmem>>, vector<16xf32>,
        %add3A_747 = arith.constant 32 : i32
        %add3A_748 = arith.addi %squeeze3A_722, %add3A_747 : i32
        %get3A_749 = arith.index_cast %add3A_748 : i32 to index
        %get3A_750 = tpu.vector_load %arg6[%get3A_749] {strides = array<i32>} : memref<64000xf32, #tpu.memory_space<vmem>>, vector<16xf32>,
        %add3A_751 = arith.constant 13 : i32
        %add3A_752 = arith.addi %mul3A_73, %add3A_751 : i32
        %mul3A_753 = arith.constant 64 : i32
        %mul3A_754 = arith.muli %add3A_752, %mul3A_753 : i32
        %add3A_755 = arith.constant 32 : i32
        %add3A_756 = arith.addi %mul3A_754, %add3A_755 : i32
        %swap3A_757 = arith.index_cast %add3A_756 : i32 to index
        %swap3A_758 = tpu.vector_load %arg7[%swap3A_757] {strides = array<i32>} : memref<2048xf32, #tpu.memory_space<vmem>>, vector<16xf32>,
        tpu.vector_store %arg7[%swap3A_757], %get3A_750 {strides = array<i32>} : memref<2048xf32, #tpu.memory_space<vmem>>, vector<16xf32>,
        %add3A_759 = arith.constant 48 : i32
        %add3A_760 = arith.addi %squeeze3A_722, %add3A_759 : i32
        %get3A_761 = arith.index_cast %add3A_760 : i32 to index
        %get3A_762 = tpu.vector_load %arg6[%get3A_761] {strides = array<i32>} : memref<64000xf32, #tpu.memory_space<vmem>>, vector<16xf32>,
        %add3A_763 = arith.constant 13 : i32
        %add3A_764 = arith.addi %mul3A_73, %add3A_763 : i32
        %mul3A_765 = arith.constant 64 : i32
        %mul3A_766 = arith.muli %add3A_764, %mul3A_765 : i32
        %add3A_767 = arith.constant 48 : i32
        %add3A_768 = arith.addi %mul3A_766, %add3A_767 : i32
        %swap3A_769 = arith.index_cast %add3A_768 : i32 to index
        %swap3A_770 = tpu.vector_load %arg7[%swap3A_769] {strides = array<i32>} : memref<2048xf32, #tpu.memory_space<vmem>>, vector<16xf32>,
        tpu.vector_store %arg7[%swap3A_769], %get3A_762 {strides = array<i32>} : memref<2048xf32, #tpu.memory_space<vmem>>, vector<16xf32>,
        %slice3A_771 = vector.extract_strided_slice %mul3A_71 {offsets = [14], sizes = [1], strides = [1]} : vector<16xi32> to vector<1xi32>
        %squeeze3A_772 = vector.extract %slice3A_771[0] : i32 from vector<1xi32>
        %add3A_773 = arith.constant 0 : i32
        %add3A_774 = arith.addi %squeeze3A_772, %add3A_773 : i32
        %get3A_775 = arith.index_cast %add3A_774 : i32 to index
        %get3A_776 = tpu.vector_load %arg6[%get3A_775] {strides = array<i32>} : memref<64000xf32, #tpu.memory_space<vmem>>, vector<16xf32>,
        %add3A_777 = arith.constant 14 : i32
        %add3A_778 = arith.addi %mul3A_73, %add3A_777 : i32
        %mul3A_779 = arith.constant 64 : i32
        %mul3A_780 = arith.muli %add3A_778, %mul3A_779 : i32
        %add3A_781 = arith.constant 0 : i32
        %add3A_782 = arith.addi %mul3A_780, %add3A_781 : i32
        %swap3A_783 = arith.index_cast %add3A_782 : i32 to index
        %swap3A_784 = tpu.vector_load %arg7[%swap3A_783] {strides = array<i32>} : memref<2048xf32, #tpu.memory_space<vmem>>, vector<16xf32>,
        tpu.vector_store %arg7[%swap3A_783], %get3A_776 {strides = array<i32>} : memref<2048xf32, #tpu.memory_space<vmem>>, vector<16xf32>,
        %add3A_785 = arith.constant 16 : i32
        %add3A_786 = arith.addi %squeeze3A_772, %add3A_785 : i32
        %get3A_787 = arith.index_cast %add3A_786 : i32 to index
        %get3A_788 = tpu.vector_load %arg6[%get3A_787] {strides = array<i32>} : memref<64000xf32, #tpu.memory_space<vmem>>, vector<16xf32>,
        %add3A_789 = arith.constant 14 : i32
        %add3A_790 = arith.addi %mul3A_73, %add3A_789 : i32
        %mul3A_791 = arith.constant 64 : i32
        %mul3A_792 = arith.muli %add3A_790, %mul3A_791 : i32
        %add3A_793 = arith.constant 16 : i32
        %add3A_794 = arith.addi %mul3A_792, %add3A_793 : i32
        %swap3A_795 = arith.index_cast %add3A_794 : i32 to index
        %swap3A_796 = tpu.vector_load %arg7[%swap3A_795] {strides = array<i32>} : memref<2048xf32, #tpu.memory_space<vmem>>, vector<16xf32>,
        tpu.vector_store %arg7[%swap3A_795], %get3A_788 {strides = array<i32>} : memref<2048xf32, #tpu.memory_space<vmem>>, vector<16xf32>,
        %add3A_797 = arith.constant 32 : i32
        %add3A_798 = arith.addi %squeeze3A_772, %add3A_797 : i32
        %get3A_799 = arith.index_cast %add3A_798 : i32 to index
        %get3A_800 = tpu.vector_load %arg6[%get3A_799] {strides = array<i32>} : memref<64000xf32, #tpu.memory_space<vmem>>, vector<16xf32>,
        %add3A_801 = arith.constant 14 : i32
        %add3A_802 = arith.addi %mul3A_73, %add3A_801 : i32
        %mul3A_803 = arith.constant 64 : i32
        %mul3A_804 = arith.muli %add3A_802, %mul3A_803 : i32
        %add3A_805 = arith.constant 32 : i32
        %add3A_806 = arith.addi %mul3A_804, %add3A_805 : i32
        %swap3A_807 = arith.index_cast %add3A_806 : i32 to index
        %swap3A_808 = tpu.vector_load %arg7[%swap3A_807] {strides = array<i32>} : memref<2048xf32, #tpu.memory_space<vmem>>, vector<16xf32>,
        tpu.vector_store %arg7[%swap3A_807], %get3A_800 {strides = array<i32>} : memref<2048xf32, #tpu.memory_space<vmem>>, vector<16xf32>,
        %add3A_809 = arith.constant 48 : i32
        %add3A_810 = arith.addi %squeeze3A_772, %add3A_809 : i32
        %get3A_811 = arith.index_cast %add3A_810 : i32 to index
        %get3A_812 = tpu.vector_load %arg6[%get3A_811] {strides = array<i32>} : memref<64000xf32, #tpu.memory_space<vmem>>, vector<16xf32>,
        %add3A_813 = arith.constant 14 : i32
        %add3A_814 = arith.addi %mul3A_73, %add3A_813 : i32
        %mul3A_815 = arith.constant 64 : i32
        %mul3A_816 = arith.muli %add3A_814, %mul3A_815 : i32
        %add3A_817 = arith.constant 48 : i32
        %add3A_818 = arith.addi %mul3A_816, %add3A_817 : i32
        %swap3A_819 = arith.index_cast %add3A_818 : i32 to index
        %swap3A_820 = tpu.vector_load %arg7[%swap3A_819] {strides = array<i32>} : memref<2048xf32, #tpu.memory_space<vmem>>, vector<16xf32>,
        tpu.vector_store %arg7[%swap3A_819], %get3A_812 {strides = array<i32>} : memref<2048xf32, #tpu.memory_space<vmem>>, vector<16xf32>,
        %slice3A_821 = vector.extract_strided_slice %mul3A_71 {offsets = [15], sizes = [1], strides = [1]} : vector<16xi32> to vector<1xi32>
        %squeeze3A_822 = vector.extract %slice3A_821[0] : i32 from vector<1xi32>
        %add3A_823 = arith.constant 0 : i32
        %add3A_824 = arith.addi %squeeze3A_822, %add3A_823 : i32
        %get3A_825 = arith.index_cast %add3A_824 : i32 to index
        %get3A_826 = tpu.vector_load %arg6[%get3A_825] {strides = array<i32>} : memref<64000xf32, #tpu.memory_space<vmem>>, vector<16xf32>,
        %add3A_827 = arith.constant 15 : i32
        %add3A_828 = arith.addi %mul3A_73, %add3A_827 : i32
        %mul3A_829 = arith.constant 64 : i32
        %mul3A_830 = arith.muli %add3A_828, %mul3A_829 : i32
        %add3A_831 = arith.constant 0 : i32
        %add3A_832 = arith.addi %mul3A_830, %add3A_831 : i32
        %swap3A_833 = arith.index_cast %add3A_832 : i32 to index
        %swap3A_834 = tpu.vector_load %arg7[%swap3A_833] {strides = array<i32>} : memref<2048xf32, #tpu.memory_space<vmem>>, vector<16xf32>,
        tpu.vector_store %arg7[%swap3A_833], %get3A_826 {strides = array<i32>} : memref<2048xf32, #tpu.memory_space<vmem>>, vector<16xf32>,
        %add3A_835 = arith.constant 16 : i32
        %add3A_836 = arith.addi %squeeze3A_822, %add3A_835 : i32
        %get3A_837 = arith.index_cast %add3A_836 : i32 to index
        %get3A_838 = tpu.vector_load %arg6[%get3A_837] {strides = array<i32>} : memref<64000xf32, #tpu.memory_space<vmem>>, vector<16xf32>,
        %add3A_839 = arith.constant 15 : i32
        %add3A_840 = arith.addi %mul3A_73, %add3A_839 : i32
        %mul3A_841 = arith.constant 64 : i32
        %mul3A_842 = arith.muli %add3A_840, %mul3A_841 : i32
        %add3A_843 = arith.constant 16 : i32
        %add3A_844 = arith.addi %mul3A_842, %add3A_843 : i32
        %swap3A_845 = arith.index_cast %add3A_844 : i32 to index
        %swap3A_846 = tpu.vector_load %arg7[%swap3A_845] {strides = array<i32>} : memref<2048xf32, #tpu.memory_space<vmem>>, vector<16xf32>,
        tpu.vector_store %arg7[%swap3A_845], %get3A_838 {strides = array<i32>} : memref<2048xf32, #tpu.memory_space<vmem>>, vector<16xf32>,
        %add3A_847 = arith.constant 32 : i32
        %add3A_848 = arith.addi %squeeze3A_822, %add3A_847 : i32
        %get3A_849 = arith.index_cast %add3A_848 : i32 to index
        %get3A_850 = tpu.vector_load %arg6[%get3A_849] {strides = array<i32>} : memref<64000xf32, #tpu.memory_space<vmem>>, vector<16xf32>,
        %add3A_851 = arith.constant 15 : i32
        %add3A_852 = arith.addi %mul3A_73, %add3A_851 : i32
        %mul3A_853 = arith.constant 64 : i32
        %mul3A_854 = arith.muli %add3A_852, %mul3A_853 : i32
        %add3A_855 = arith.constant 32 : i32
        %add3A_856 = arith.addi %mul3A_854, %add3A_855 : i32
        %swap3A_857 = arith.index_cast %add3A_856 : i32 to index
        %swap3A_858 = tpu.vector_load %arg7[%swap3A_857] {strides = array<i32>} : memref<2048xf32, #tpu.memory_space<vmem>>, vector<16xf32>,
        tpu.vector_store %arg7[%swap3A_857], %get3A_850 {strides = array<i32>} : memref<2048xf32, #tpu.memory_space<vmem>>, vector<16xf32>,
        %add3A_859 = arith.constant 48 : i32
        %add3A_860 = arith.addi %squeeze3A_822, %add3A_859 : i32
        %get3A_861 = arith.index_cast %add3A_860 : i32 to index
        %get3A_862 = tpu.vector_load %arg6[%get3A_861] {strides = array<i32>} : memref<64000xf32, #tpu.memory_space<vmem>>, vector<16xf32>,
        %add3A_863 = arith.constant 15 : i32
        %add3A_864 = arith.addi %mul3A_73, %add3A_863 : i32
        %mul3A_865 = arith.constant 64 : i32
        %mul3A_866 = arith.muli %add3A_864, %mul3A_865 : i32
        %add3A_867 = arith.constant 48 : i32
        %add3A_868 = arith.addi %mul3A_866, %add3A_867 : i32
        %swap3A_869 = arith.index_cast %add3A_868 : i32 to index
        %swap3A_870 = tpu.vector_load %arg7[%swap3A_869] {strides = array<i32>} : memref<2048xf32, #tpu.memory_space<vmem>>, vector<16xf32>,
        tpu.vector_store %arg7[%swap3A_869], %get3A_862 {strides = array<i32>} : memref<2048xf32, #tpu.memory_space<vmem>>, vector<16xf32>,
      }
      %scan3A_32 = arith.constant 2 : i32
      %mul3A_33 = arith.constant 32 : i32
      %mul3A_34 = arith.muli %mul3A_24, %mul3A_33 : i32
      %add3A_35 = arith.addi %mul3A_2, %mul3A_34 : i32
      %mul3A_36 = arith.constant 64 : i32
      %mul3A_37 = arith.muli %add3A_35, %mul3A_36 : i32
      %dma_start3A_38 = tpu.memref_slice %arg4[%mul3A_37] : memref<3276800xf32, #tpu.memory_space<hbm>> -> memref<2048xf32, #tpu.memory_space<hbm>>
      %dma_start3A_39 = tpu.memref_slice %arg4[%mul3A_37] : memref<3276800xf32, #tpu.memory_space<hbm>> -> memref<2048xf32, #tpu.memory_space<hbm>>
      tpu.enqueue_dma source(%arg7 : memref<2048xf32, #tpu.memory_space<vmem>>) target(%dma_start3A_39 : memref<2048xf32, #tpu.memory_space<hbm>>) target_semaphore(%arg11 : memref<!tpu.dma_semaphore, #tpu.memory_space<semaphore_mem>>)
      %mul3A_40 = arith.constant 2 : i32
      %mul3A_41 = arith.muli %mul3A_40, %scan3A_22 : i32
      %add3A_42 = arith.constant 1 : i32
      %add3A_43 = arith.addi %mul3A_41, %add3A_42 : i32
      %ge3A_44 = arith.constant 2 : i32
      %ge3A_45 = arith.cmpi sge, %add3A_43, %ge3A_44 : i32
      %convert_element_type3A_46 = arith.extui %ge3A_45 : i1 to i32
      %cond3A_47 = arith.constant 0 : i32
      %cond3A_48 = arith.cmpi ne, %convert_element_type3A_46, %cond3A_47 : i32
      scf.if %cond3A_48 {
        %sub3A = arith.constant 2 : i32
        %sub3A_62 = arith.subi %add3A_43, %sub3A : i32
        %mul3A_63 = arith.constant 32 : i32
        %mul3A_64 = arith.muli %sub3A_62, %mul3A_63 : i32
        %add3A_65 = arith.addi %mul3A_2, %mul3A_64 : i32
        %mul3A_66 = arith.constant 64 : i32
        %mul3A_67 = arith.muli %add3A_65, %mul3A_66 : i32
        %dma_wait3A_68 = tpu.memref_slice %arg4[%mul3A_67] : memref<3276800xf32, #tpu.memory_space<hbm>> -> memref<2048xf32, #tpu.memory_space<hbm>>
        %dma_wait3A_69 = tpu.memref_slice %arg4[%mul3A_67] : memref<3276800xf32, #tpu.memory_space<hbm>> -> memref<2048xf32, #tpu.memory_space<hbm>>
        tpu.wait_dma2 semaphore(%arg12 : memref<!tpu.dma_semaphore, #tpu.memory_space<semaphore_mem>>) src(%arg8 : memref<2048xf32, #tpu.memory_space<vmem>>) dst(%dma_wait3A_69 : memref<2048xf32, #tpu.memory_space<hbm>>)
      } else {
      }
      %scan3A_49 = arith.constant 0 : i32
      %scan3A_50 = arith.constant 0 : i32
      %scan3A_51 = arith.constant 2 : i32
      %scan3A_52 = arith.addi %scan3A_50, %scan3A_51 : i32
      %scan3A_53 = arith.constant 1 : i32
      scf.for %scan3A_62 = %scan3A_50 to %scan3A_52 step %scan3A_53  : i32 {
        %mul3A_63 = arith.constant 32 : i32
        %mul3A_64 = arith.muli %add3A_43, %mul3A_63 : i32
        %mul3A_65 = arith.constant 16 : i32
        %mul3A_66 = arith.muli %scan3A_62, %mul3A_65 : i32
        %add3A_67 = arith.addi %mul3A_64, %mul3A_66 : i32
        %get3A = arith.index_cast %add3A_67 : i32 to index
        %get3A_68 = tpu.vector_load %arg5[%get3A] {strides = array<i32>} : memref<1600xi32, #tpu.memory_space<vmem>>, vector<16xi32>,
        %mul3A_69 = arith.constant 64 : i32
        %mul3A_70 = vector.broadcast %mul3A_69 : i32 to vector<16xi32>
        %mul3A_71 = arith.muli %get3A_68, %mul3A_70 : vector<16xi32>
        %mul3A_72 = arith.constant 16 : i32
        %mul3A_73 = arith.muli %scan3A_62, %mul3A_72 : i32
        %slice3A = vector.extract_strided_slice %mul3A_71 {offsets = [0], sizes = [1], strides = [1]} : vector<16xi32> to vector<1xi32>
        %squeeze3A = vector.extract %slice3A[0] : i32 from vector<1xi32>
        %add3A_74 = arith.constant 0 : i32
        %add3A_75 = arith.addi %squeeze3A, %add3A_74 : i32
        %get3A_76 = arith.index_cast %add3A_75 : i32 to index
        %get3A_77 = tpu.vector_load %arg6[%get3A_76] {strides = array<i32>} : memref<64000xf32, #tpu.memory_space<vmem>>, vector<16xf32>,
        %add3A_78 = arith.constant 0 : i32
        %add3A_79 = arith.addi %mul3A_73, %add3A_78 : i32
        %mul3A_80 = arith.constant 64 : i32
        %mul3A_81 = arith.muli %add3A_79, %mul3A_80 : i32
        %add3A_82 = arith.constant 0 : i32
        %add3A_83 = arith.addi %mul3A_81, %add3A_82 : i32
        %swap3A = arith.index_cast %add3A_83 : i32 to index
        %swap3A_84 = tpu.vector_load %arg8[%swap3A] {strides = array<i32>} : memref<2048xf32, #tpu.memory_space<vmem>>, vector<16xf32>,
        tpu.vector_store %arg8[%swap3A], %get3A_77 {strides = array<i32>} : memref<2048xf32, #tpu.memory_space<vmem>>, vector<16xf32>,
        %add3A_85 = arith.constant 16 : i32
        %add3A_86 = arith.addi %squeeze3A, %add3A_85 : i32
        %get3A_87 = arith.index_cast %add3A_86 : i32 to index
        %get3A_88 = tpu.vector_load %arg6[%get3A_87] {strides = array<i32>} : memref<64000xf32, #tpu.memory_space<vmem>>, vector<16xf32>,
        %add3A_89 = arith.constant 0 : i32
        %add3A_90 = arith.addi %mul3A_73, %add3A_89 : i32
        %mul3A_91 = arith.constant 64 : i32
        %mul3A_92 = arith.muli %add3A_90, %mul3A_91 : i32
        %add3A_93 = arith.constant 16 : i32
        %add3A_94 = arith.addi %mul3A_92, %add3A_93 : i32
        %swap3A_95 = arith.index_cast %add3A_94 : i32 to index
        %swap3A_96 = tpu.vector_load %arg8[%swap3A_95] {strides = array<i32>} : memref<2048xf32, #tpu.memory_space<vmem>>, vector<16xf32>,
        tpu.vector_store %arg8[%swap3A_95], %get3A_88 {strides = array<i32>} : memref<2048xf32, #tpu.memory_space<vmem>>, vector<16xf32>,
        %add3A_97 = arith.constant 32 : i32
        %add3A_98 = arith.addi %squeeze3A, %add3A_97 : i32
        %get3A_99 = arith.index_cast %add3A_98 : i32 to index
        %get3A_100 = tpu.vector_load %arg6[%get3A_99] {strides = array<i32>} : memref<64000xf32, #tpu.memory_space<vmem>>, vector<16xf32>,
        %add3A_101 = arith.constant 0 : i32
        %add3A_102 = arith.addi %mul3A_73, %add3A_101 : i32
        %mul3A_103 = arith.constant 64 : i32
        %mul3A_104 = arith.muli %add3A_102, %mul3A_103 : i32
        %add3A_105 = arith.constant 32 : i32
        %add3A_106 = arith.addi %mul3A_104, %add3A_105 : i32
        %swap3A_107 = arith.index_cast %add3A_106 : i32 to index
        %swap3A_108 = tpu.vector_load %arg8[%swap3A_107] {strides = array<i32>} : memref<2048xf32, #tpu.memory_space<vmem>>, vector<16xf32>,
        tpu.vector_store %arg8[%swap3A_107], %get3A_100 {strides = array<i32>} : memref<2048xf32, #tpu.memory_space<vmem>>, vector<16xf32>,
        %add3A_109 = arith.constant 48 : i32
        %add3A_110 = arith.addi %squeeze3A, %add3A_109 : i32
        %get3A_111 = arith.index_cast %add3A_110 : i32 to index
        %get3A_112 = tpu.vector_load %arg6[%get3A_111] {strides = array<i32>} : memref<64000xf32, #tpu.memory_space<vmem>>, vector<16xf32>,
        %add3A_113 = arith.constant 0 : i32
        %add3A_114 = arith.addi %mul3A_73, %add3A_113 : i32
        %mul3A_115 = arith.constant 64 : i32
        %mul3A_116 = arith.muli %add3A_114, %mul3A_115 : i32
        %add3A_117 = arith.constant 48 : i32
        %add3A_118 = arith.addi %mul3A_116, %add3A_117 : i32
        %swap3A_119 = arith.index_cast %add3A_118 : i32 to index
        %swap3A_120 = tpu.vector_load %arg8[%swap3A_119] {strides = array<i32>} : memref<2048xf32, #tpu.memory_space<vmem>>, vector<16xf32>,
        tpu.vector_store %arg8[%swap3A_119], %get3A_112 {strides = array<i32>} : memref<2048xf32, #tpu.memory_space<vmem>>, vector<16xf32>,
        %slice3A_121 = vector.extract_strided_slice %mul3A_71 {offsets = [1], sizes = [1], strides = [1]} : vector<16xi32> to vector<1xi32>
        %squeeze3A_122 = vector.extract %slice3A_121[0] : i32 from vector<1xi32>
        %add3A_123 = arith.constant 0 : i32
        %add3A_124 = arith.addi %squeeze3A_122, %add3A_123 : i32
        %get3A_125 = arith.index_cast %add3A_124 : i32 to index
        %get3A_126 = tpu.vector_load %arg6[%get3A_125] {strides = array<i32>} : memref<64000xf32, #tpu.memory_space<vmem>>, vector<16xf32>,
        %add3A_127 = arith.constant 1 : i32
        %add3A_128 = arith.addi %mul3A_73, %add3A_127 : i32
        %mul3A_129 = arith.constant 64 : i32
        %mul3A_130 = arith.muli %add3A_128, %mul3A_129 : i32
        %add3A_131 = arith.constant 0 : i32
        %add3A_132 = arith.addi %mul3A_130, %add3A_131 : i32
        %swap3A_133 = arith.index_cast %add3A_132 : i32 to index
        %swap3A_134 = tpu.vector_load %arg8[%swap3A_133] {strides = array<i32>} : memref<2048xf32, #tpu.memory_space<vmem>>, vector<16xf32>,
        tpu.vector_store %arg8[%swap3A_133], %get3A_126 {strides = array<i32>} : memref<2048xf32, #tpu.memory_space<vmem>>, vector<16xf32>,
        %add3A_135 = arith.constant 16 : i32
        %add3A_136 = arith.addi %squeeze3A_122, %add3A_135 : i32
        %get3A_137 = arith.index_cast %add3A_136 : i32 to index
        %get3A_138 = tpu.vector_load %arg6[%get3A_137] {strides = array<i32>} : memref<64000xf32, #tpu.memory_space<vmem>>, vector<16xf32>,
        %add3A_139 = arith.constant 1 : i32
        %add3A_140 = arith.addi %mul3A_73, %add3A_139 : i32
        %mul3A_141 = arith.constant 64 : i32
        %mul3A_142 = arith.muli %add3A_140, %mul3A_141 : i32
        %add3A_143 = arith.constant 16 : i32
        %add3A_144 = arith.addi %mul3A_142, %add3A_143 : i32
        %swap3A_145 = arith.index_cast %add3A_144 : i32 to index
        %swap3A_146 = tpu.vector_load %arg8[%swap3A_145] {strides = array<i32>} : memref<2048xf32, #tpu.memory_space<vmem>>, vector<16xf32>,
        tpu.vector_store %arg8[%swap3A_145], %get3A_138 {strides = array<i32>} : memref<2048xf32, #tpu.memory_space<vmem>>, vector<16xf32>,
        %add3A_147 = arith.constant 32 : i32
        %add3A_148 = arith.addi %squeeze3A_122, %add3A_147 : i32
        %get3A_149 = arith.index_cast %add3A_148 : i32 to index
        %get3A_150 = tpu.vector_load %arg6[%get3A_149] {strides = array<i32>} : memref<64000xf32, #tpu.memory_space<vmem>>, vector<16xf32>,
        %add3A_151 = arith.constant 1 : i32
        %add3A_152 = arith.addi %mul3A_73, %add3A_151 : i32
        %mul3A_153 = arith.constant 64 : i32
        %mul3A_154 = arith.muli %add3A_152, %mul3A_153 : i32
        %add3A_155 = arith.constant 32 : i32
        %add3A_156 = arith.addi %mul3A_154, %add3A_155 : i32
        %swap3A_157 = arith.index_cast %add3A_156 : i32 to index
        %swap3A_158 = tpu.vector_load %arg8[%swap3A_157] {strides = array<i32>} : memref<2048xf32, #tpu.memory_space<vmem>>, vector<16xf32>,
        tpu.vector_store %arg8[%swap3A_157], %get3A_150 {strides = array<i32>} : memref<2048xf32, #tpu.memory_space<vmem>>, vector<16xf32>,
        %add3A_159 = arith.constant 48 : i32
        %add3A_160 = arith.addi %squeeze3A_122, %add3A_159 : i32
        %get3A_161 = arith.index_cast %add3A_160 : i32 to index
        %get3A_162 = tpu.vector_load %arg6[%get3A_161] {strides = array<i32>} : memref<64000xf32, #tpu.memory_space<vmem>>, vector<16xf32>,
        %add3A_163 = arith.constant 1 : i32
        %add3A_164 = arith.addi %mul3A_73, %add3A_163 : i32
        %mul3A_165 = arith.constant 64 : i32
        %mul3A_166 = arith.muli %add3A_164, %mul3A_165 : i32
        %add3A_167 = arith.constant 48 : i32
        %add3A_168 = arith.addi %mul3A_166, %add3A_167 : i32
        %swap3A_169 = arith.index_cast %add3A_168 : i32 to index
        %swap3A_170 = tpu.vector_load %arg8[%swap3A_169] {strides = array<i32>} : memref<2048xf32, #tpu.memory_space<vmem>>, vector<16xf32>,
        tpu.vector_store %arg8[%swap3A_169], %get3A_162 {strides = array<i32>} : memref<2048xf32, #tpu.memory_space<vmem>>, vector<16xf32>,
        %slice3A_171 = vector.extract_strided_slice %mul3A_71 {offsets = [2], sizes = [1], strides = [1]} : vector<16xi32> to vector<1xi32>
        %squeeze3A_172 = vector.extract %slice3A_171[0] : i32 from vector<1xi32>
        %add3A_173 = arith.constant 0 : i32
        %add3A_174 = arith.addi %squeeze3A_172, %add3A_173 : i32
        %get3A_175 = arith.index_cast %add3A_174 : i32 to index
        %get3A_176 = tpu.vector_load %arg6[%get3A_175] {strides = array<i32>} : memref<64000xf32, #tpu.memory_space<vmem>>, vector<16xf32>,
        %add3A_177 = arith.constant 2 : i32
        %add3A_178 = arith.addi %mul3A_73, %add3A_177 : i32
        %mul3A_179 = arith.constant 64 : i32
        %mul3A_180 = arith.muli %add3A_178, %mul3A_179 : i32
        %add3A_181 = arith.constant 0 : i32
        %add3A_182 = arith.addi %mul3A_180, %add3A_181 : i32
        %swap3A_183 = arith.index_cast %add3A_182 : i32 to index
        %swap3A_184 = tpu.vector_load %arg8[%swap3A_183] {strides = array<i32>} : memref<2048xf32, #tpu.memory_space<vmem>>, vector<16xf32>,
        tpu.vector_store %arg8[%swap3A_183], %get3A_176 {strides = array<i32>} : memref<2048xf32, #tpu.memory_space<vmem>>, vector<16xf32>,
        %add3A_185 = arith.constant 16 : i32
        %add3A_186 = arith.addi %squeeze3A_172, %add3A_185 : i32
        %get3A_187 = arith.index_cast %add3A_186 : i32 to index
        %get3A_188 = tpu.vector_load %arg6[%get3A_187] {strides = array<i32>} : memref<64000xf32, #tpu.memory_space<vmem>>, vector<16xf32>,
        %add3A_189 = arith.constant 2 : i32
        %add3A_190 = arith.addi %mul3A_73, %add3A_189 : i32
        %mul3A_191 = arith.constant 64 : i32
        %mul3A_192 = arith.muli %add3A_190, %mul3A_191 : i32
        %add3A_193 = arith.constant 16 : i32
        %add3A_194 = arith.addi %mul3A_192, %add3A_193 : i32
        %swap3A_195 = arith.index_cast %add3A_194 : i32 to index
        %swap3A_196 = tpu.vector_load %arg8[%swap3A_195] {strides = array<i32>} : memref<2048xf32, #tpu.memory_space<vmem>>, vector<16xf32>,
        tpu.vector_store %arg8[%swap3A_195], %get3A_188 {strides = array<i32>} : memref<2048xf32, #tpu.memory_space<vmem>>, vector<16xf32>,
        %add3A_197 = arith.constant 32 : i32
        %add3A_198 = arith.addi %squeeze3A_172, %add3A_197 : i32
        %get3A_199 = arith.index_cast %add3A_198 : i32 to index
        %get3A_200 = tpu.vector_load %arg6[%get3A_199] {strides = array<i32>} : memref<64000xf32, #tpu.memory_space<vmem>>, vector<16xf32>,
        %add3A_201 = arith.constant 2 : i32
        %add3A_202 = arith.addi %mul3A_73, %add3A_201 : i32
        %mul3A_203 = arith.constant 64 : i32
        %mul3A_204 = arith.muli %add3A_202, %mul3A_203 : i32
        %add3A_205 = arith.constant 32 : i32
        %add3A_206 = arith.addi %mul3A_204, %add3A_205 : i32
        %swap3A_207 = arith.index_cast %add3A_206 : i32 to index
        %swap3A_208 = tpu.vector_load %arg8[%swap3A_207] {strides = array<i32>} : memref<2048xf32, #tpu.memory_space<vmem>>, vector<16xf32>,
        tpu.vector_store %arg8[%swap3A_207], %get3A_200 {strides = array<i32>} : memref<2048xf32, #tpu.memory_space<vmem>>, vector<16xf32>,
        %add3A_209 = arith.constant 48 : i32
        %add3A_210 = arith.addi %squeeze3A_172, %add3A_209 : i32
        %get3A_211 = arith.index_cast %add3A_210 : i32 to index
        %get3A_212 = tpu.vector_load %arg6[%get3A_211] {strides = array<i32>} : memref<64000xf32, #tpu.memory_space<vmem>>, vector<16xf32>,
        %add3A_213 = arith.constant 2 : i32
        %add3A_214 = arith.addi %mul3A_73, %add3A_213 : i32
        %mul3A_215 = arith.constant 64 : i32
        %mul3A_216 = arith.muli %add3A_214, %mul3A_215 : i32
        %add3A_217 = arith.constant 48 : i32
        %add3A_218 = arith.addi %mul3A_216, %add3A_217 : i32
        %swap3A_219 = arith.index_cast %add3A_218 : i32 to index
        %swap3A_220 = tpu.vector_load %arg8[%swap3A_219] {strides = array<i32>} : memref<2048xf32, #tpu.memory_space<vmem>>, vector<16xf32>,
        tpu.vector_store %arg8[%swap3A_219], %get3A_212 {strides = array<i32>} : memref<2048xf32, #tpu.memory_space<vmem>>, vector<16xf32>,
        %slice3A_221 = vector.extract_strided_slice %mul3A_71 {offsets = [3], sizes = [1], strides = [1]} : vector<16xi32> to vector<1xi32>
        %squeeze3A_222 = vector.extract %slice3A_221[0] : i32 from vector<1xi32>
        %add3A_223 = arith.constant 0 : i32
        %add3A_224 = arith.addi %squeeze3A_222, %add3A_223 : i32
        %get3A_225 = arith.index_cast %add3A_224 : i32 to index
        %get3A_226 = tpu.vector_load %arg6[%get3A_225] {strides = array<i32>} : memref<64000xf32, #tpu.memory_space<vmem>>, vector<16xf32>,
        %add3A_227 = arith.constant 3 : i32
        %add3A_228 = arith.addi %mul3A_73, %add3A_227 : i32
        %mul3A_229 = arith.constant 64 : i32
        %mul3A_230 = arith.muli %add3A_228, %mul3A_229 : i32
        %add3A_231 = arith.constant 0 : i32
        %add3A_232 = arith.addi %mul3A_230, %add3A_231 : i32
        %swap3A_233 = arith.index_cast %add3A_232 : i32 to index
        %swap3A_234 = tpu.vector_load %arg8[%swap3A_233] {strides = array<i32>} : memref<2048xf32, #tpu.memory_space<vmem>>, vector<16xf32>,
        tpu.vector_store %arg8[%swap3A_233], %get3A_226 {strides = array<i32>} : memref<2048xf32, #tpu.memory_space<vmem>>, vector<16xf32>,
        %add3A_235 = arith.constant 16 : i32
        %add3A_236 = arith.addi %squeeze3A_222, %add3A_235 : i32
        %get3A_237 = arith.index_cast %add3A_236 : i32 to index
        %get3A_238 = tpu.vector_load %arg6[%get3A_237] {strides = array<i32>} : memref<64000xf32, #tpu.memory_space<vmem>>, vector<16xf32>,
        %add3A_239 = arith.constant 3 : i32
        %add3A_240 = arith.addi %mul3A_73, %add3A_239 : i32
        %mul3A_241 = arith.constant 64 : i32
        %mul3A_242 = arith.muli %add3A_240, %mul3A_241 : i32
        %add3A_243 = arith.constant 16 : i32
        %add3A_244 = arith.addi %mul3A_242, %add3A_243 : i32
        %swap3A_245 = arith.index_cast %add3A_244 : i32 to index
        %swap3A_246 = tpu.vector_load %arg8[%swap3A_245] {strides = array<i32>} : memref<2048xf32, #tpu.memory_space<vmem>>, vector<16xf32>,
        tpu.vector_store %arg8[%swap3A_245], %get3A_238 {strides = array<i32>} : memref<2048xf32, #tpu.memory_space<vmem>>, vector<16xf32>,
        %add3A_247 = arith.constant 32 : i32
        %add3A_248 = arith.addi %squeeze3A_222, %add3A_247 : i32
        %get3A_249 = arith.index_cast %add3A_248 : i32 to index
        %get3A_250 = tpu.vector_load %arg6[%get3A_249] {strides = array<i32>} : memref<64000xf32, #tpu.memory_space<vmem>>, vector<16xf32>,
        %add3A_251 = arith.constant 3 : i32
        %add3A_252 = arith.addi %mul3A_73, %add3A_251 : i32
        %mul3A_253 = arith.constant 64 : i32
        %mul3A_254 = arith.muli %add3A_252, %mul3A_253 : i32
        %add3A_255 = arith.constant 32 : i32
        %add3A_256 = arith.addi %mul3A_254, %add3A_255 : i32
        %swap3A_257 = arith.index_cast %add3A_256 : i32 to index
        %swap3A_258 = tpu.vector_load %arg8[%swap3A_257] {strides = array<i32>} : memref<2048xf32, #tpu.memory_space<vmem>>, vector<16xf32>,
        tpu.vector_store %arg8[%swap3A_257], %get3A_250 {strides = array<i32>} : memref<2048xf32, #tpu.memory_space<vmem>>, vector<16xf32>,
        %add3A_259 = arith.constant 48 : i32
        %add3A_260 = arith.addi %squeeze3A_222, %add3A_259 : i32
        %get3A_261 = arith.index_cast %add3A_260 : i32 to index
        %get3A_262 = tpu.vector_load %arg6[%get3A_261] {strides = array<i32>} : memref<64000xf32, #tpu.memory_space<vmem>>, vector<16xf32>,
        %add3A_263 = arith.constant 3 : i32
        %add3A_264 = arith.addi %mul3A_73, %add3A_263 : i32
        %mul3A_265 = arith.constant 64 : i32
        %mul3A_266 = arith.muli %add3A_264, %mul3A_265 : i32
        %add3A_267 = arith.constant 48 : i32
        %add3A_268 = arith.addi %mul3A_266, %add3A_267 : i32
        %swap3A_269 = arith.index_cast %add3A_268 : i32 to index
        %swap3A_270 = tpu.vector_load %arg8[%swap3A_269] {strides = array<i32>} : memref<2048xf32, #tpu.memory_space<vmem>>, vector<16xf32>,
        tpu.vector_store %arg8[%swap3A_269], %get3A_262 {strides = array<i32>} : memref<2048xf32, #tpu.memory_space<vmem>>, vector<16xf32>,
        %slice3A_271 = vector.extract_strided_slice %mul3A_71 {offsets = [4], sizes = [1], strides = [1]} : vector<16xi32> to vector<1xi32>
        %squeeze3A_272 = vector.extract %slice3A_271[0] : i32 from vector<1xi32>
        %add3A_273 = arith.constant 0 : i32
        %add3A_274 = arith.addi %squeeze3A_272, %add3A_273 : i32
        %get3A_275 = arith.index_cast %add3A_274 : i32 to index
        %get3A_276 = tpu.vector_load %arg6[%get3A_275] {strides = array<i32>} : memref<64000xf32, #tpu.memory_space<vmem>>, vector<16xf32>,
        %add3A_277 = arith.constant 4 : i32
        %add3A_278 = arith.addi %mul3A_73, %add3A_277 : i32
        %mul3A_279 = arith.constant 64 : i32
        %mul3A_280 = arith.muli %add3A_278, %mul3A_279 : i32
        %add3A_281 = arith.constant 0 : i32
        %add3A_282 = arith.addi %mul3A_280, %add3A_281 : i32
        %swap3A_283 = arith.index_cast %add3A_282 : i32 to index
        %swap3A_284 = tpu.vector_load %arg8[%swap3A_283] {strides = array<i32>} : memref<2048xf32, #tpu.memory_space<vmem>>, vector<16xf32>,
        tpu.vector_store %arg8[%swap3A_283], %get3A_276 {strides = array<i32>} : memref<2048xf32, #tpu.memory_space<vmem>>, vector<16xf32>,
        %add3A_285 = arith.constant 16 : i32
        %add3A_286 = arith.addi %squeeze3A_272, %add3A_285 : i32
        %get3A_287 = arith.index_cast %add3A_286 : i32 to index
        %get3A_288 = tpu.vector_load %arg6[%get3A_287] {strides = array<i32>} : memref<64000xf32, #tpu.memory_space<vmem>>, vector<16xf32>,
        %add3A_289 = arith.constant 4 : i32
        %add3A_290 = arith.addi %mul3A_73, %add3A_289 : i32
        %mul3A_291 = arith.constant 64 : i32
        %mul3A_292 = arith.muli %add3A_290, %mul3A_291 : i32
        %add3A_293 = arith.constant 16 : i32
        %add3A_294 = arith.addi %mul3A_292, %add3A_293 : i32
        %swap3A_295 = arith.index_cast %add3A_294 : i32 to index
        %swap3A_296 = tpu.vector_load %arg8[%swap3A_295] {strides = array<i32>} : memref<2048xf32, #tpu.memory_space<vmem>>, vector<16xf32>,
        tpu.vector_store %arg8[%swap3A_295], %get3A_288 {strides = array<i32>} : memref<2048xf32, #tpu.memory_space<vmem>>, vector<16xf32>,
        %add3A_297 = arith.constant 32 : i32
        %add3A_298 = arith.addi %squeeze3A_272, %add3A_297 : i32
        %get3A_299 = arith.index_cast %add3A_298 : i32 to index
        %get3A_300 = tpu.vector_load %arg6[%get3A_299] {strides = array<i32>} : memref<64000xf32, #tpu.memory_space<vmem>>, vector<16xf32>,
        %add3A_301 = arith.constant 4 : i32
        %add3A_302 = arith.addi %mul3A_73, %add3A_301 : i32
        %mul3A_303 = arith.constant 64 : i32
        %mul3A_304 = arith.muli %add3A_302, %mul3A_303 : i32
        %add3A_305 = arith.constant 32 : i32
        %add3A_306 = arith.addi %mul3A_304, %add3A_305 : i32
        %swap3A_307 = arith.index_cast %add3A_306 : i32 to index
        %swap3A_308 = tpu.vector_load %arg8[%swap3A_307] {strides = array<i32>} : memref<2048xf32, #tpu.memory_space<vmem>>, vector<16xf32>,
        tpu.vector_store %arg8[%swap3A_307], %get3A_300 {strides = array<i32>} : memref<2048xf32, #tpu.memory_space<vmem>>, vector<16xf32>,
        %add3A_309 = arith.constant 48 : i32
        %add3A_310 = arith.addi %squeeze3A_272, %add3A_309 : i32
        %get3A_311 = arith.index_cast %add3A_310 : i32 to index
        %get3A_312 = tpu.vector_load %arg6[%get3A_311] {strides = array<i32>} : memref<64000xf32, #tpu.memory_space<vmem>>, vector<16xf32>,
        %add3A_313 = arith.constant 4 : i32
        %add3A_314 = arith.addi %mul3A_73, %add3A_313 : i32
        %mul3A_315 = arith.constant 64 : i32
        %mul3A_316 = arith.muli %add3A_314, %mul3A_315 : i32
        %add3A_317 = arith.constant 48 : i32
        %add3A_318 = arith.addi %mul3A_316, %add3A_317 : i32
        %swap3A_319 = arith.index_cast %add3A_318 : i32 to index
        %swap3A_320 = tpu.vector_load %arg8[%swap3A_319] {strides = array<i32>} : memref<2048xf32, #tpu.memory_space<vmem>>, vector<16xf32>,
        tpu.vector_store %arg8[%swap3A_319], %get3A_312 {strides = array<i32>} : memref<2048xf32, #tpu.memory_space<vmem>>, vector<16xf32>,
        %slice3A_321 = vector.extract_strided_slice %mul3A_71 {offsets = [5], sizes = [1], strides = [1]} : vector<16xi32> to vector<1xi32>
        %squeeze3A_322 = vector.extract %slice3A_321[0] : i32 from vector<1xi32>
        %add3A_323 = arith.constant 0 : i32
        %add3A_324 = arith.addi %squeeze3A_322, %add3A_323 : i32
        %get3A_325 = arith.index_cast %add3A_324 : i32 to index
        %get3A_326 = tpu.vector_load %arg6[%get3A_325] {strides = array<i32>} : memref<64000xf32, #tpu.memory_space<vmem>>, vector<16xf32>,
        %add3A_327 = arith.constant 5 : i32
        %add3A_328 = arith.addi %mul3A_73, %add3A_327 : i32
        %mul3A_329 = arith.constant 64 : i32
        %mul3A_330 = arith.muli %add3A_328, %mul3A_329 : i32
        %add3A_331 = arith.constant 0 : i32
        %add3A_332 = arith.addi %mul3A_330, %add3A_331 : i32
        %swap3A_333 = arith.index_cast %add3A_332 : i32 to index
        %swap3A_334 = tpu.vector_load %arg8[%swap3A_333] {strides = array<i32>} : memref<2048xf32, #tpu.memory_space<vmem>>, vector<16xf32>,
        tpu.vector_store %arg8[%swap3A_333], %get3A_326 {strides = array<i32>} : memref<2048xf32, #tpu.memory_space<vmem>>, vector<16xf32>,
        %add3A_335 = arith.constant 16 : i32
        %add3A_336 = arith.addi %squeeze3A_322, %add3A_335 : i32
        %get3A_337 = arith.index_cast %add3A_336 : i32 to index
        %get3A_338 = tpu.vector_load %arg6[%get3A_337] {strides = array<i32>} : memref<64000xf32, #tpu.memory_space<vmem>>, vector<16xf32>,
        %add3A_339 = arith.constant 5 : i32
        %add3A_340 = arith.addi %mul3A_73, %add3A_339 : i32
        %mul3A_341 = arith.constant 64 : i32
        %mul3A_342 = arith.muli %add3A_340, %mul3A_341 : i32
        %add3A_343 = arith.constant 16 : i32
        %add3A_344 = arith.addi %mul3A_342, %add3A_343 : i32
        %swap3A_345 = arith.index_cast %add3A_344 : i32 to index
        %swap3A_346 = tpu.vector_load %arg8[%swap3A_345] {strides = array<i32>} : memref<2048xf32, #tpu.memory_space<vmem>>, vector<16xf32>,
        tpu.vector_store %arg8[%swap3A_345], %get3A_338 {strides = array<i32>} : memref<2048xf32, #tpu.memory_space<vmem>>, vector<16xf32>,
        %add3A_347 = arith.constant 32 : i32
        %add3A_348 = arith.addi %squeeze3A_322, %add3A_347 : i32
        %get3A_349 = arith.index_cast %add3A_348 : i32 to index
        %get3A_350 = tpu.vector_load %arg6[%get3A_349] {strides = array<i32>} : memref<64000xf32, #tpu.memory_space<vmem>>, vector<16xf32>,
        %add3A_351 = arith.constant 5 : i32
        %add3A_352 = arith.addi %mul3A_73, %add3A_351 : i32
        %mul3A_353 = arith.constant 64 : i32
        %mul3A_354 = arith.muli %add3A_352, %mul3A_353 : i32
        %add3A_355 = arith.constant 32 : i32
        %add3A_356 = arith.addi %mul3A_354, %add3A_355 : i32
        %swap3A_357 = arith.index_cast %add3A_356 : i32 to index
        %swap3A_358 = tpu.vector_load %arg8[%swap3A_357] {strides = array<i32>} : memref<2048xf32, #tpu.memory_space<vmem>>, vector<16xf32>,
        tpu.vector_store %arg8[%swap3A_357], %get3A_350 {strides = array<i32>} : memref<2048xf32, #tpu.memory_space<vmem>>, vector<16xf32>,
        %add3A_359 = arith.constant 48 : i32
        %add3A_360 = arith.addi %squeeze3A_322, %add3A_359 : i32
        %get3A_361 = arith.index_cast %add3A_360 : i32 to index
        %get3A_362 = tpu.vector_load %arg6[%get3A_361] {strides = array<i32>} : memref<64000xf32, #tpu.memory_space<vmem>>, vector<16xf32>,
        %add3A_363 = arith.constant 5 : i32
        %add3A_364 = arith.addi %mul3A_73, %add3A_363 : i32
        %mul3A_365 = arith.constant 64 : i32
        %mul3A_366 = arith.muli %add3A_364, %mul3A_365 : i32
        %add3A_367 = arith.constant 48 : i32
        %add3A_368 = arith.addi %mul3A_366, %add3A_367 : i32
        %swap3A_369 = arith.index_cast %add3A_368 : i32 to index
        %swap3A_370 = tpu.vector_load %arg8[%swap3A_369] {strides = array<i32>} : memref<2048xf32, #tpu.memory_space<vmem>>, vector<16xf32>,
        tpu.vector_store %arg8[%swap3A_369], %get3A_362 {strides = array<i32>} : memref<2048xf32, #tpu.memory_space<vmem>>, vector<16xf32>,
        %slice3A_371 = vector.extract_strided_slice %mul3A_71 {offsets = [6], sizes = [1], strides = [1]} : vector<16xi32> to vector<1xi32>
        %squeeze3A_372 = vector.extract %slice3A_371[0] : i32 from vector<1xi32>
        %add3A_373 = arith.constant 0 : i32
        %add3A_374 = arith.addi %squeeze3A_372, %add3A_373 : i32
        %get3A_375 = arith.index_cast %add3A_374 : i32 to index
        %get3A_376 = tpu.vector_load %arg6[%get3A_375] {strides = array<i32>} : memref<64000xf32, #tpu.memory_space<vmem>>, vector<16xf32>,
        %add3A_377 = arith.constant 6 : i32
        %add3A_378 = arith.addi %mul3A_73, %add3A_377 : i32
        %mul3A_379 = arith.constant 64 : i32
        %mul3A_380 = arith.muli %add3A_378, %mul3A_379 : i32
        %add3A_381 = arith.constant 0 : i32
        %add3A_382 = arith.addi %mul3A_380, %add3A_381 : i32
        %swap3A_383 = arith.index_cast %add3A_382 : i32 to index
        %swap3A_384 = tpu.vector_load %arg8[%swap3A_383] {strides = array<i32>} : memref<2048xf32, #tpu.memory_space<vmem>>, vector<16xf32>,
        tpu.vector_store %arg8[%swap3A_383], %get3A_376 {strides = array<i32>} : memref<2048xf32, #tpu.memory_space<vmem>>, vector<16xf32>,
        %add3A_385 = arith.constant 16 : i32
        %add3A_386 = arith.addi %squeeze3A_372, %add3A_385 : i32
        %get3A_387 = arith.index_cast %add3A_386 : i32 to index
        %get3A_388 = tpu.vector_load %arg6[%get3A_387] {strides = array<i32>} : memref<64000xf32, #tpu.memory_space<vmem>>, vector<16xf32>,
        %add3A_389 = arith.constant 6 : i32
        %add3A_390 = arith.addi %mul3A_73, %add3A_389 : i32
        %mul3A_391 = arith.constant 64 : i32
        %mul3A_392 = arith.muli %add3A_390, %mul3A_391 : i32
        %add3A_393 = arith.constant 16 : i32
        %add3A_394 = arith.addi %mul3A_392, %add3A_393 : i32
        %swap3A_395 = arith.index_cast %add3A_394 : i32 to index
        %swap3A_396 = tpu.vector_load %arg8[%swap3A_395] {strides = array<i32>} : memref<2048xf32, #tpu.memory_space<vmem>>, vector<16xf32>,
        tpu.vector_store %arg8[%swap3A_395], %get3A_388 {strides = array<i32>} : memref<2048xf32, #tpu.memory_space<vmem>>, vector<16xf32>,
        %add3A_397 = arith.constant 32 : i32
        %add3A_398 = arith.addi %squeeze3A_372, %add3A_397 : i32
        %get3A_399 = arith.index_cast %add3A_398 : i32 to index
        %get3A_400 = tpu.vector_load %arg6[%get3A_399] {strides = array<i32>} : memref<64000xf32, #tpu.memory_space<vmem>>, vector<16xf32>,
        %add3A_401 = arith.constant 6 : i32
        %add3A_402 = arith.addi %mul3A_73, %add3A_401 : i32
        %mul3A_403 = arith.constant 64 : i32
        %mul3A_404 = arith.muli %add3A_402, %mul3A_403 : i32
        %add3A_405 = arith.constant 32 : i32
        %add3A_406 = arith.addi %mul3A_404, %add3A_405 : i32
        %swap3A_407 = arith.index_cast %add3A_406 : i32 to index
        %swap3A_408 = tpu.vector_load %arg8[%swap3A_407] {strides = array<i32>} : memref<2048xf32, #tpu.memory_space<vmem>>, vector<16xf32>,
        tpu.vector_store %arg8[%swap3A_407], %get3A_400 {strides = array<i32>} : memref<2048xf32, #tpu.memory_space<vmem>>, vector<16xf32>,
        %add3A_409 = arith.constant 48 : i32
        %add3A_410 = arith.addi %squeeze3A_372, %add3A_409 : i32
        %get3A_411 = arith.index_cast %add3A_410 : i32 to index
        %get3A_412 = tpu.vector_load %arg6[%get3A_411] {strides = array<i32>} : memref<64000xf32, #tpu.memory_space<vmem>>, vector<16xf32>,
        %add3A_413 = arith.constant 6 : i32
        %add3A_414 = arith.addi %mul3A_73, %add3A_413 : i32
        %mul3A_415 = arith.constant 64 : i32
        %mul3A_416 = arith.muli %add3A_414, %mul3A_415 : i32
        %add3A_417 = arith.constant 48 : i32
        %add3A_418 = arith.addi %mul3A_416, %add3A_417 : i32
        %swap3A_419 = arith.index_cast %add3A_418 : i32 to index
        %swap3A_420 = tpu.vector_load %arg8[%swap3A_419] {strides = array<i32>} : memref<2048xf32, #tpu.memory_space<vmem>>, vector<16xf32>,
        tpu.vector_store %arg8[%swap3A_419], %get3A_412 {strides = array<i32>} : memref<2048xf32, #tpu.memory_space<vmem>>, vector<16xf32>,
        %slice3A_421 = vector.extract_strided_slice %mul3A_71 {offsets = [7], sizes = [1], strides = [1]} : vector<16xi32> to vector<1xi32>
        %squeeze3A_422 = vector.extract %slice3A_421[0] : i32 from vector<1xi32>
        %add3A_423 = arith.constant 0 : i32
        %add3A_424 = arith.addi %squeeze3A_422, %add3A_423 : i32
        %get3A_425 = arith.index_cast %add3A_424 : i32 to index
        %get3A_426 = tpu.vector_load %arg6[%get3A_425] {strides = array<i32>} : memref<64000xf32, #tpu.memory_space<vmem>>, vector<16xf32>,
        %add3A_427 = arith.constant 7 : i32
        %add3A_428 = arith.addi %mul3A_73, %add3A_427 : i32
        %mul3A_429 = arith.constant 64 : i32
        %mul3A_430 = arith.muli %add3A_428, %mul3A_429 : i32
        %add3A_431 = arith.constant 0 : i32
        %add3A_432 = arith.addi %mul3A_430, %add3A_431 : i32
        %swap3A_433 = arith.index_cast %add3A_432 : i32 to index
        %swap3A_434 = tpu.vector_load %arg8[%swap3A_433] {strides = array<i32>} : memref<2048xf32, #tpu.memory_space<vmem>>, vector<16xf32>,
        tpu.vector_store %arg8[%swap3A_433], %get3A_426 {strides = array<i32>} : memref<2048xf32, #tpu.memory_space<vmem>>, vector<16xf32>,
        %add3A_435 = arith.constant 16 : i32
        %add3A_436 = arith.addi %squeeze3A_422, %add3A_435 : i32
        %get3A_437 = arith.index_cast %add3A_436 : i32 to index
        %get3A_438 = tpu.vector_load %arg6[%get3A_437] {strides = array<i32>} : memref<64000xf32, #tpu.memory_space<vmem>>, vector<16xf32>,
        %add3A_439 = arith.constant 7 : i32
        %add3A_440 = arith.addi %mul3A_73, %add3A_439 : i32
        %mul3A_441 = arith.constant 64 : i32
        %mul3A_442 = arith.muli %add3A_440, %mul3A_441 : i32
        %add3A_443 = arith.constant 16 : i32
        %add3A_444 = arith.addi %mul3A_442, %add3A_443 : i32
        %swap3A_445 = arith.index_cast %add3A_444 : i32 to index
        %swap3A_446 = tpu.vector_load %arg8[%swap3A_445] {strides = array<i32>} : memref<2048xf32, #tpu.memory_space<vmem>>, vector<16xf32>,
        tpu.vector_store %arg8[%swap3A_445], %get3A_438 {strides = array<i32>} : memref<2048xf32, #tpu.memory_space<vmem>>, vector<16xf32>,
        %add3A_447 = arith.constant 32 : i32
        %add3A_448 = arith.addi %squeeze3A_422, %add3A_447 : i32
        %get3A_449 = arith.index_cast %add3A_448 : i32 to index
        %get3A_450 = tpu.vector_load %arg6[%get3A_449] {strides = array<i32>} : memref<64000xf32, #tpu.memory_space<vmem>>, vector<16xf32>,
        %add3A_451 = arith.constant 7 : i32
        %add3A_452 = arith.addi %mul3A_73, %add3A_451 : i32
        %mul3A_453 = arith.constant 64 : i32
        %mul3A_454 = arith.muli %add3A_452, %mul3A_453 : i32
        %add3A_455 = arith.constant 32 : i32
        %add3A_456 = arith.addi %mul3A_454, %add3A_455 : i32
        %swap3A_457 = arith.index_cast %add3A_456 : i32 to index
        %swap3A_458 = tpu.vector_load %arg8[%swap3A_457] {strides = array<i32>} : memref<2048xf32, #tpu.memory_space<vmem>>, vector<16xf32>,
        tpu.vector_store %arg8[%swap3A_457], %get3A_450 {strides = array<i32>} : memref<2048xf32, #tpu.memory_space<vmem>>, vector<16xf32>,
        %add3A_459 = arith.constant 48 : i32
        %add3A_460 = arith.addi %squeeze3A_422, %add3A_459 : i32
        %get3A_461 = arith.index_cast %add3A_460 : i32 to index
        %get3A_462 = tpu.vector_load %arg6[%get3A_461] {strides = array<i32>} : memref<64000xf32, #tpu.memory_space<vmem>>, vector<16xf32>,
        %add3A_463 = arith.constant 7 : i32
        %add3A_464 = arith.addi %mul3A_73, %add3A_463 : i32
        %mul3A_465 = arith.constant 64 : i32
        %mul3A_466 = arith.muli %add3A_464, %mul3A_465 : i32
        %add3A_467 = arith.constant 48 : i32
        %add3A_468 = arith.addi %mul3A_466, %add3A_467 : i32
        %swap3A_469 = arith.index_cast %add3A_468 : i32 to index
        %swap3A_470 = tpu.vector_load %arg8[%swap3A_469] {strides = array<i32>} : memref<2048xf32, #tpu.memory_space<vmem>>, vector<16xf32>,
        tpu.vector_store %arg8[%swap3A_469], %get3A_462 {strides = array<i32>} : memref<2048xf32, #tpu.memory_space<vmem>>, vector<16xf32>,
        %slice3A_471 = vector.extract_strided_slice %mul3A_71 {offsets = [8], sizes = [1], strides = [1]} : vector<16xi32> to vector<1xi32>
        %squeeze3A_472 = vector.extract %slice3A_471[0] : i32 from vector<1xi32>
        %add3A_473 = arith.constant 0 : i32
        %add3A_474 = arith.addi %squeeze3A_472, %add3A_473 : i32
        %get3A_475 = arith.index_cast %add3A_474 : i32 to index
        %get3A_476 = tpu.vector_load %arg6[%get3A_475] {strides = array<i32>} : memref<64000xf32, #tpu.memory_space<vmem>>, vector<16xf32>,
        %add3A_477 = arith.constant 8 : i32
        %add3A_478 = arith.addi %mul3A_73, %add3A_477 : i32
        %mul3A_479 = arith.constant 64 : i32
        %mul3A_480 = arith.muli %add3A_478, %mul3A_479 : i32
        %add3A_481 = arith.constant 0 : i32
        %add3A_482 = arith.addi %mul3A_480, %add3A_481 : i32
        %swap3A_483 = arith.index_cast %add3A_482 : i32 to index
        %swap3A_484 = tpu.vector_load %arg8[%swap3A_483] {strides = array<i32>} : memref<2048xf32, #tpu.memory_space<vmem>>, vector<16xf32>,
        tpu.vector_store %arg8[%swap3A_483], %get3A_476 {strides = array<i32>} : memref<2048xf32, #tpu.memory_space<vmem>>, vector<16xf32>,
        %add3A_485 = arith.constant 16 : i32
        %add3A_486 = arith.addi %squeeze3A_472, %add3A_485 : i32
        %get3A_487 = arith.index_cast %add3A_486 : i32 to index
        %get3A_488 = tpu.vector_load %arg6[%get3A_487] {strides = array<i32>} : memref<64000xf32, #tpu.memory_space<vmem>>, vector<16xf32>,
        %add3A_489 = arith.constant 8 : i32
        %add3A_490 = arith.addi %mul3A_73, %add3A_489 : i32
        %mul3A_491 = arith.constant 64 : i32
        %mul3A_492 = arith.muli %add3A_490, %mul3A_491 : i32
        %add3A_493 = arith.constant 16 : i32
        %add3A_494 = arith.addi %mul3A_492, %add3A_493 : i32
        %swap3A_495 = arith.index_cast %add3A_494 : i32 to index
        %swap3A_496 = tpu.vector_load %arg8[%swap3A_495] {strides = array<i32>} : memref<2048xf32, #tpu.memory_space<vmem>>, vector<16xf32>,
        tpu.vector_store %arg8[%swap3A_495], %get3A_488 {strides = array<i32>} : memref<2048xf32, #tpu.memory_space<vmem>>, vector<16xf32>,
        %add3A_497 = arith.constant 32 : i32
        %add3A_498 = arith.addi %squeeze3A_472, %add3A_497 : i32
        %get3A_499 = arith.index_cast %add3A_498 : i32 to index
        %get3A_500 = tpu.vector_load %arg6[%get3A_499] {strides = array<i32>} : memref<64000xf32, #tpu.memory_space<vmem>>, vector<16xf32>,
        %add3A_501 = arith.constant 8 : i32
        %add3A_502 = arith.addi %mul3A_73, %add3A_501 : i32
        %mul3A_503 = arith.constant 64 : i32
        %mul3A_504 = arith.muli %add3A_502, %mul3A_503 : i32
        %add3A_505 = arith.constant 32 : i32
        %add3A_506 = arith.addi %mul3A_504, %add3A_505 : i32
        %swap3A_507 = arith.index_cast %add3A_506 : i32 to index
        %swap3A_508 = tpu.vector_load %arg8[%swap3A_507] {strides = array<i32>} : memref<2048xf32, #tpu.memory_space<vmem>>, vector<16xf32>,
        tpu.vector_store %arg8[%swap3A_507], %get3A_500 {strides = array<i32>} : memref<2048xf32, #tpu.memory_space<vmem>>, vector<16xf32>,
        %add3A_509 = arith.constant 48 : i32
        %add3A_510 = arith.addi %squeeze3A_472, %add3A_509 : i32
        %get3A_511 = arith.index_cast %add3A_510 : i32 to index
        %get3A_512 = tpu.vector_load %arg6[%get3A_511] {strides = array<i32>} : memref<64000xf32, #tpu.memory_space<vmem>>, vector<16xf32>,
        %add3A_513 = arith.constant 8 : i32
        %add3A_514 = arith.addi %mul3A_73, %add3A_513 : i32
        %mul3A_515 = arith.constant 64 : i32
        %mul3A_516 = arith.muli %add3A_514, %mul3A_515 : i32
        %add3A_517 = arith.constant 48 : i32
        %add3A_518 = arith.addi %mul3A_516, %add3A_517 : i32
        %swap3A_519 = arith.index_cast %add3A_518 : i32 to index
        %swap3A_520 = tpu.vector_load %arg8[%swap3A_519] {strides = array<i32>} : memref<2048xf32, #tpu.memory_space<vmem>>, vector<16xf32>,
        tpu.vector_store %arg8[%swap3A_519], %get3A_512 {strides = array<i32>} : memref<2048xf32, #tpu.memory_space<vmem>>, vector<16xf32>,
        %slice3A_521 = vector.extract_strided_slice %mul3A_71 {offsets = [9], sizes = [1], strides = [1]} : vector<16xi32> to vector<1xi32>
        %squeeze3A_522 = vector.extract %slice3A_521[0] : i32 from vector<1xi32>
        %add3A_523 = arith.constant 0 : i32
        %add3A_524 = arith.addi %squeeze3A_522, %add3A_523 : i32
        %get3A_525 = arith.index_cast %add3A_524 : i32 to index
        %get3A_526 = tpu.vector_load %arg6[%get3A_525] {strides = array<i32>} : memref<64000xf32, #tpu.memory_space<vmem>>, vector<16xf32>,
        %add3A_527 = arith.constant 9 : i32
        %add3A_528 = arith.addi %mul3A_73, %add3A_527 : i32
        %mul3A_529 = arith.constant 64 : i32
        %mul3A_530 = arith.muli %add3A_528, %mul3A_529 : i32
        %add3A_531 = arith.constant 0 : i32
        %add3A_532 = arith.addi %mul3A_530, %add3A_531 : i32
        %swap3A_533 = arith.index_cast %add3A_532 : i32 to index
        %swap3A_534 = tpu.vector_load %arg8[%swap3A_533] {strides = array<i32>} : memref<2048xf32, #tpu.memory_space<vmem>>, vector<16xf32>,
        tpu.vector_store %arg8[%swap3A_533], %get3A_526 {strides = array<i32>} : memref<2048xf32, #tpu.memory_space<vmem>>, vector<16xf32>,
        %add3A_535 = arith.constant 16 : i32
        %add3A_536 = arith.addi %squeeze3A_522, %add3A_535 : i32
        %get3A_537 = arith.index_cast %add3A_536 : i32 to index
        %get3A_538 = tpu.vector_load %arg6[%get3A_537] {strides = array<i32>} : memref<64000xf32, #tpu.memory_space<vmem>>, vector<16xf32>,
        %add3A_539 = arith.constant 9 : i32
        %add3A_540 = arith.addi %mul3A_73, %add3A_539 : i32
        %mul3A_541 = arith.constant 64 : i32
        %mul3A_542 = arith.muli %add3A_540, %mul3A_541 : i32
        %add3A_543 = arith.constant 16 : i32
        %add3A_544 = arith.addi %mul3A_542, %add3A_543 : i32
        %swap3A_545 = arith.index_cast %add3A_544 : i32 to index
        %swap3A_546 = tpu.vector_load %arg8[%swap3A_545] {strides = array<i32>} : memref<2048xf32, #tpu.memory_space<vmem>>, vector<16xf32>,
        tpu.vector_store %arg8[%swap3A_545], %get3A_538 {strides = array<i32>} : memref<2048xf32, #tpu.memory_space<vmem>>, vector<16xf32>,
        %add3A_547 = arith.constant 32 : i32
        %add3A_548 = arith.addi %squeeze3A_522, %add3A_547 : i32
        %get3A_549 = arith.index_cast %add3A_548 : i32 to index
        %get3A_550 = tpu.vector_load %arg6[%get3A_549] {strides = array<i32>} : memref<64000xf32, #tpu.memory_space<vmem>>, vector<16xf32>,
        %add3A_551 = arith.constant 9 : i32
        %add3A_552 = arith.addi %mul3A_73, %add3A_551 : i32
        %mul3A_553 = arith.constant 64 : i32
        %mul3A_554 = arith.muli %add3A_552, %mul3A_553 : i32
        %add3A_555 = arith.constant 32 : i32
        %add3A_556 = arith.addi %mul3A_554, %add3A_555 : i32
        %swap3A_557 = arith.index_cast %add3A_556 : i32 to index
        %swap3A_558 = tpu.vector_load %arg8[%swap3A_557] {strides = array<i32>} : memref<2048xf32, #tpu.memory_space<vmem>>, vector<16xf32>,
        tpu.vector_store %arg8[%swap3A_557], %get3A_550 {strides = array<i32>} : memref<2048xf32, #tpu.memory_space<vmem>>, vector<16xf32>,
        %add3A_559 = arith.constant 48 : i32
        %add3A_560 = arith.addi %squeeze3A_522, %add3A_559 : i32
        %get3A_561 = arith.index_cast %add3A_560 : i32 to index
        %get3A_562 = tpu.vector_load %arg6[%get3A_561] {strides = array<i32>} : memref<64000xf32, #tpu.memory_space<vmem>>, vector<16xf32>,
        %add3A_563 = arith.constant 9 : i32
        %add3A_564 = arith.addi %mul3A_73, %add3A_563 : i32
        %mul3A_565 = arith.constant 64 : i32
        %mul3A_566 = arith.muli %add3A_564, %mul3A_565 : i32
        %add3A_567 = arith.constant 48 : i32
        %add3A_568 = arith.addi %mul3A_566, %add3A_567 : i32
        %swap3A_569 = arith.index_cast %add3A_568 : i32 to index
        %swap3A_570 = tpu.vector_load %arg8[%swap3A_569] {strides = array<i32>} : memref<2048xf32, #tpu.memory_space<vmem>>, vector<16xf32>,
        tpu.vector_store %arg8[%swap3A_569], %get3A_562 {strides = array<i32>} : memref<2048xf32, #tpu.memory_space<vmem>>, vector<16xf32>,
        %slice3A_571 = vector.extract_strided_slice %mul3A_71 {offsets = [10], sizes = [1], strides = [1]} : vector<16xi32> to vector<1xi32>
        %squeeze3A_572 = vector.extract %slice3A_571[0] : i32 from vector<1xi32>
        %add3A_573 = arith.constant 0 : i32
        %add3A_574 = arith.addi %squeeze3A_572, %add3A_573 : i32
        %get3A_575 = arith.index_cast %add3A_574 : i32 to index
        %get3A_576 = tpu.vector_load %arg6[%get3A_575] {strides = array<i32>} : memref<64000xf32, #tpu.memory_space<vmem>>, vector<16xf32>,
        %add3A_577 = arith.constant 10 : i32
        %add3A_578 = arith.addi %mul3A_73, %add3A_577 : i32
        %mul3A_579 = arith.constant 64 : i32
        %mul3A_580 = arith.muli %add3A_578, %mul3A_579 : i32
        %add3A_581 = arith.constant 0 : i32
        %add3A_582 = arith.addi %mul3A_580, %add3A_581 : i32
        %swap3A_583 = arith.index_cast %add3A_582 : i32 to index
        %swap3A_584 = tpu.vector_load %arg8[%swap3A_583] {strides = array<i32>} : memref<2048xf32, #tpu.memory_space<vmem>>, vector<16xf32>,
        tpu.vector_store %arg8[%swap3A_583], %get3A_576 {strides = array<i32>} : memref<2048xf32, #tpu.memory_space<vmem>>, vector<16xf32>,
        %add3A_585 = arith.constant 16 : i32
        %add3A_586 = arith.addi %squeeze3A_572, %add3A_585 : i32
        %get3A_587 = arith.index_cast %add3A_586 : i32 to index
        %get3A_588 = tpu.vector_load %arg6[%get3A_587] {strides = array<i32>} : memref<64000xf32, #tpu.memory_space<vmem>>, vector<16xf32>,
        %add3A_589 = arith.constant 10 : i32
        %add3A_590 = arith.addi %mul3A_73, %add3A_589 : i32
        %mul3A_591 = arith.constant 64 : i32
        %mul3A_592 = arith.muli %add3A_590, %mul3A_591 : i32
        %add3A_593 = arith.constant 16 : i32
        %add3A_594 = arith.addi %mul3A_592, %add3A_593 : i32
        %swap3A_595 = arith.index_cast %add3A_594 : i32 to index
        %swap3A_596 = tpu.vector_load %arg8[%swap3A_595] {strides = array<i32>} : memref<2048xf32, #tpu.memory_space<vmem>>, vector<16xf32>,
        tpu.vector_store %arg8[%swap3A_595], %get3A_588 {strides = array<i32>} : memref<2048xf32, #tpu.memory_space<vmem>>, vector<16xf32>,
        %add3A_597 = arith.constant 32 : i32
        %add3A_598 = arith.addi %squeeze3A_572, %add3A_597 : i32
        %get3A_599 = arith.index_cast %add3A_598 : i32 to index
        %get3A_600 = tpu.vector_load %arg6[%get3A_599] {strides = array<i32>} : memref<64000xf32, #tpu.memory_space<vmem>>, vector<16xf32>,
        %add3A_601 = arith.constant 10 : i32
        %add3A_602 = arith.addi %mul3A_73, %add3A_601 : i32
        %mul3A_603 = arith.constant 64 : i32
        %mul3A_604 = arith.muli %add3A_602, %mul3A_603 : i32
        %add3A_605 = arith.constant 32 : i32
        %add3A_606 = arith.addi %mul3A_604, %add3A_605 : i32
        %swap3A_607 = arith.index_cast %add3A_606 : i32 to index
        %swap3A_608 = tpu.vector_load %arg8[%swap3A_607] {strides = array<i32>} : memref<2048xf32, #tpu.memory_space<vmem>>, vector<16xf32>,
        tpu.vector_store %arg8[%swap3A_607], %get3A_600 {strides = array<i32>} : memref<2048xf32, #tpu.memory_space<vmem>>, vector<16xf32>,
        %add3A_609 = arith.constant 48 : i32
        %add3A_610 = arith.addi %squeeze3A_572, %add3A_609 : i32
        %get3A_611 = arith.index_cast %add3A_610 : i32 to index
        %get3A_612 = tpu.vector_load %arg6[%get3A_611] {strides = array<i32>} : memref<64000xf32, #tpu.memory_space<vmem>>, vector<16xf32>,
        %add3A_613 = arith.constant 10 : i32
        %add3A_614 = arith.addi %mul3A_73, %add3A_613 : i32
        %mul3A_615 = arith.constant 64 : i32
        %mul3A_616 = arith.muli %add3A_614, %mul3A_615 : i32
        %add3A_617 = arith.constant 48 : i32
        %add3A_618 = arith.addi %mul3A_616, %add3A_617 : i32
        %swap3A_619 = arith.index_cast %add3A_618 : i32 to index
        %swap3A_620 = tpu.vector_load %arg8[%swap3A_619] {strides = array<i32>} : memref<2048xf32, #tpu.memory_space<vmem>>, vector<16xf32>,
        tpu.vector_store %arg8[%swap3A_619], %get3A_612 {strides = array<i32>} : memref<2048xf32, #tpu.memory_space<vmem>>, vector<16xf32>,
        %slice3A_621 = vector.extract_strided_slice %mul3A_71 {offsets = [11], sizes = [1], strides = [1]} : vector<16xi32> to vector<1xi32>
        %squeeze3A_622 = vector.extract %slice3A_621[0] : i32 from vector<1xi32>
        %add3A_623 = arith.constant 0 : i32
        %add3A_624 = arith.addi %squeeze3A_622, %add3A_623 : i32
        %get3A_625 = arith.index_cast %add3A_624 : i32 to index
        %get3A_626 = tpu.vector_load %arg6[%get3A_625] {strides = array<i32>} : memref<64000xf32, #tpu.memory_space<vmem>>, vector<16xf32>,
        %add3A_627 = arith.constant 11 : i32
        %add3A_628 = arith.addi %mul3A_73, %add3A_627 : i32
        %mul3A_629 = arith.constant 64 : i32
        %mul3A_630 = arith.muli %add3A_628, %mul3A_629 : i32
        %add3A_631 = arith.constant 0 : i32
        %add3A_632 = arith.addi %mul3A_630, %add3A_631 : i32
        %swap3A_633 = arith.index_cast %add3A_632 : i32 to index
        %swap3A_634 = tpu.vector_load %arg8[%swap3A_633] {strides = array<i32>} : memref<2048xf32, #tpu.memory_space<vmem>>, vector<16xf32>,
        tpu.vector_store %arg8[%swap3A_633], %get3A_626 {strides = array<i32>} : memref<2048xf32, #tpu.memory_space<vmem>>, vector<16xf32>,
        %add3A_635 = arith.constant 16 : i32
        %add3A_636 = arith.addi %squeeze3A_622, %add3A_635 : i32
        %get3A_637 = arith.index_cast %add3A_636 : i32 to index
        %get3A_638 = tpu.vector_load %arg6[%get3A_637] {strides = array<i32>} : memref<64000xf32, #tpu.memory_space<vmem>>, vector<16xf32>,
        %add3A_639 = arith.constant 11 : i32
        %add3A_640 = arith.addi %mul3A_73, %add3A_639 : i32
        %mul3A_641 = arith.constant 64 : i32
        %mul3A_642 = arith.muli %add3A_640, %mul3A_641 : i32
        %add3A_643 = arith.constant 16 : i32
        %add3A_644 = arith.addi %mul3A_642, %add3A_643 : i32
        %swap3A_645 = arith.index_cast %add3A_644 : i32 to index
        %swap3A_646 = tpu.vector_load %arg8[%swap3A_645] {strides = array<i32>} : memref<2048xf32, #tpu.memory_space<vmem>>, vector<16xf32>,
        tpu.vector_store %arg8[%swap3A_645], %get3A_638 {strides = array<i32>} : memref<2048xf32, #tpu.memory_space<vmem>>, vector<16xf32>,
        %add3A_647 = arith.constant 32 : i32
        %add3A_648 = arith.addi %squeeze3A_622, %add3A_647 : i32
        %get3A_649 = arith.index_cast %add3A_648 : i32 to index
        %get3A_650 = tpu.vector_load %arg6[%get3A_649] {strides = array<i32>} : memref<64000xf32, #tpu.memory_space<vmem>>, vector<16xf32>,
        %add3A_651 = arith.constant 11 : i32
        %add3A_652 = arith.addi %mul3A_73, %add3A_651 : i32
        %mul3A_653 = arith.constant 64 : i32
        %mul3A_654 = arith.muli %add3A_652, %mul3A_653 : i32
        %add3A_655 = arith.constant 32 : i32
        %add3A_656 = arith.addi %mul3A_654, %add3A_655 : i32
        %swap3A_657 = arith.index_cast %add3A_656 : i32 to index
        %swap3A_658 = tpu.vector_load %arg8[%swap3A_657] {strides = array<i32>} : memref<2048xf32, #tpu.memory_space<vmem>>, vector<16xf32>,
        tpu.vector_store %arg8[%swap3A_657], %get3A_650 {strides = array<i32>} : memref<2048xf32, #tpu.memory_space<vmem>>, vector<16xf32>,
        %add3A_659 = arith.constant 48 : i32
        %add3A_660 = arith.addi %squeeze3A_622, %add3A_659 : i32
        %get3A_661 = arith.index_cast %add3A_660 : i32 to index
        %get3A_662 = tpu.vector_load %arg6[%get3A_661] {strides = array<i32>} : memref<64000xf32, #tpu.memory_space<vmem>>, vector<16xf32>,
        %add3A_663 = arith.constant 11 : i32
        %add3A_664 = arith.addi %mul3A_73, %add3A_663 : i32
        %mul3A_665 = arith.constant 64 : i32
        %mul3A_666 = arith.muli %add3A_664, %mul3A_665 : i32
        %add3A_667 = arith.constant 48 : i32
        %add3A_668 = arith.addi %mul3A_666, %add3A_667 : i32
        %swap3A_669 = arith.index_cast %add3A_668 : i32 to index
        %swap3A_670 = tpu.vector_load %arg8[%swap3A_669] {strides = array<i32>} : memref<2048xf32, #tpu.memory_space<vmem>>, vector<16xf32>,
        tpu.vector_store %arg8[%swap3A_669], %get3A_662 {strides = array<i32>} : memref<2048xf32, #tpu.memory_space<vmem>>, vector<16xf32>,
        %slice3A_671 = vector.extract_strided_slice %mul3A_71 {offsets = [12], sizes = [1], strides = [1]} : vector<16xi32> to vector<1xi32>
        %squeeze3A_672 = vector.extract %slice3A_671[0] : i32 from vector<1xi32>
        %add3A_673 = arith.constant 0 : i32
        %add3A_674 = arith.addi %squeeze3A_672, %add3A_673 : i32
        %get3A_675 = arith.index_cast %add3A_674 : i32 to index
        %get3A_676 = tpu.vector_load %arg6[%get3A_675] {strides = array<i32>} : memref<64000xf32, #tpu.memory_space<vmem>>, vector<16xf32>,
        %add3A_677 = arith.constant 12 : i32
        %add3A_678 = arith.addi %mul3A_73, %add3A_677 : i32
        %mul3A_679 = arith.constant 64 : i32
        %mul3A_680 = arith.muli %add3A_678, %mul3A_679 : i32
        %add3A_681 = arith.constant 0 : i32
        %add3A_682 = arith.addi %mul3A_680, %add3A_681 : i32
        %swap3A_683 = arith.index_cast %add3A_682 : i32 to index
        %swap3A_684 = tpu.vector_load %arg8[%swap3A_683] {strides = array<i32>} : memref<2048xf32, #tpu.memory_space<vmem>>, vector<16xf32>,
        tpu.vector_store %arg8[%swap3A_683], %get3A_676 {strides = array<i32>} : memref<2048xf32, #tpu.memory_space<vmem>>, vector<16xf32>,
        %add3A_685 = arith.constant 16 : i32
        %add3A_686 = arith.addi %squeeze3A_672, %add3A_685 : i32
        %get3A_687 = arith.index_cast %add3A_686 : i32 to index
        %get3A_688 = tpu.vector_load %arg6[%get3A_687] {strides = array<i32>} : memref<64000xf32, #tpu.memory_space<vmem>>, vector<16xf32>,
        %add3A_689 = arith.constant 12 : i32
        %add3A_690 = arith.addi %mul3A_73, %add3A_689 : i32
        %mul3A_691 = arith.constant 64 : i32
        %mul3A_692 = arith.muli %add3A_690, %mul3A_691 : i32
        %add3A_693 = arith.constant 16 : i32
        %add3A_694 = arith.addi %mul3A_692, %add3A_693 : i32
        %swap3A_695 = arith.index_cast %add3A_694 : i32 to index
        %swap3A_696 = tpu.vector_load %arg8[%swap3A_695] {strides = array<i32>} : memref<2048xf32, #tpu.memory_space<vmem>>, vector<16xf32>,
        tpu.vector_store %arg8[%swap3A_695], %get3A_688 {strides = array<i32>} : memref<2048xf32, #tpu.memory_space<vmem>>, vector<16xf32>,
        %add3A_697 = arith.constant 32 : i32
        %add3A_698 = arith.addi %squeeze3A_672, %add3A_697 : i32
        %get3A_699 = arith.index_cast %add3A_698 : i32 to index
        %get3A_700 = tpu.vector_load %arg6[%get3A_699] {strides = array<i32>} : memref<64000xf32, #tpu.memory_space<vmem>>, vector<16xf32>,
        %add3A_701 = arith.constant 12 : i32
        %add3A_702 = arith.addi %mul3A_73, %add3A_701 : i32
        %mul3A_703 = arith.constant 64 : i32
        %mul3A_704 = arith.muli %add3A_702, %mul3A_703 : i32
        %add3A_705 = arith.constant 32 : i32
        %add3A_706 = arith.addi %mul3A_704, %add3A_705 : i32
        %swap3A_707 = arith.index_cast %add3A_706 : i32 to index
        %swap3A_708 = tpu.vector_load %arg8[%swap3A_707] {strides = array<i32>} : memref<2048xf32, #tpu.memory_space<vmem>>, vector<16xf32>,
        tpu.vector_store %arg8[%swap3A_707], %get3A_700 {strides = array<i32>} : memref<2048xf32, #tpu.memory_space<vmem>>, vector<16xf32>,
        %add3A_709 = arith.constant 48 : i32
        %add3A_710 = arith.addi %squeeze3A_672, %add3A_709 : i32
        %get3A_711 = arith.index_cast %add3A_710 : i32 to index
        %get3A_712 = tpu.vector_load %arg6[%get3A_711] {strides = array<i32>} : memref<64000xf32, #tpu.memory_space<vmem>>, vector<16xf32>,
        %add3A_713 = arith.constant 12 : i32
        %add3A_714 = arith.addi %mul3A_73, %add3A_713 : i32
        %mul3A_715 = arith.constant 64 : i32
        %mul3A_716 = arith.muli %add3A_714, %mul3A_715 : i32
        %add3A_717 = arith.constant 48 : i32
        %add3A_718 = arith.addi %mul3A_716, %add3A_717 : i32
        %swap3A_719 = arith.index_cast %add3A_718 : i32 to index
        %swap3A_720 = tpu.vector_load %arg8[%swap3A_719] {strides = array<i32>} : memref<2048xf32, #tpu.memory_space<vmem>>, vector<16xf32>,
        tpu.vector_store %arg8[%swap3A_719], %get3A_712 {strides = array<i32>} : memref<2048xf32, #tpu.memory_space<vmem>>, vector<16xf32>,
        %slice3A_721 = vector.extract_strided_slice %mul3A_71 {offsets = [13], sizes = [1], strides = [1]} : vector<16xi32> to vector<1xi32>
        %squeeze3A_722 = vector.extract %slice3A_721[0] : i32 from vector<1xi32>
        %add3A_723 = arith.constant 0 : i32
        %add3A_724 = arith.addi %squeeze3A_722, %add3A_723 : i32
        %get3A_725 = arith.index_cast %add3A_724 : i32 to index
        %get3A_726 = tpu.vector_load %arg6[%get3A_725] {strides = array<i32>} : memref<64000xf32, #tpu.memory_space<vmem>>, vector<16xf32>,
        %add3A_727 = arith.constant 13 : i32
        %add3A_728 = arith.addi %mul3A_73, %add3A_727 : i32
        %mul3A_729 = arith.constant 64 : i32
        %mul3A_730 = arith.muli %add3A_728, %mul3A_729 : i32
        %add3A_731 = arith.constant 0 : i32
        %add3A_732 = arith.addi %mul3A_730, %add3A_731 : i32
        %swap3A_733 = arith.index_cast %add3A_732 : i32 to index
        %swap3A_734 = tpu.vector_load %arg8[%swap3A_733] {strides = array<i32>} : memref<2048xf32, #tpu.memory_space<vmem>>, vector<16xf32>,
        tpu.vector_store %arg8[%swap3A_733], %get3A_726 {strides = array<i32>} : memref<2048xf32, #tpu.memory_space<vmem>>, vector<16xf32>,
        %add3A_735 = arith.constant 16 : i32
        %add3A_736 = arith.addi %squeeze3A_722, %add3A_735 : i32
        %get3A_737 = arith.index_cast %add3A_736 : i32 to index
        %get3A_738 = tpu.vector_load %arg6[%get3A_737] {strides = array<i32>} : memref<64000xf32, #tpu.memory_space<vmem>>, vector<16xf32>,
        %add3A_739 = arith.constant 13 : i32
        %add3A_740 = arith.addi %mul3A_73, %add3A_739 : i32
        %mul3A_741 = arith.constant 64 : i32
        %mul3A_742 = arith.muli %add3A_740, %mul3A_741 : i32
        %add3A_743 = arith.constant 16 : i32
        %add3A_744 = arith.addi %mul3A_742, %add3A_743 : i32
        %swap3A_745 = arith.index_cast %add3A_744 : i32 to index
        %swap3A_746 = tpu.vector_load %arg8[%swap3A_745] {strides = array<i32>} : memref<2048xf32, #tpu.memory_space<vmem>>, vector<16xf32>,
        tpu.vector_store %arg8[%swap3A_745], %get3A_738 {strides = array<i32>} : memref<2048xf32, #tpu.memory_space<vmem>>, vector<16xf32>,
        %add3A_747 = arith.constant 32 : i32
        %add3A_748 = arith.addi %squeeze3A_722, %add3A_747 : i32
        %get3A_749 = arith.index_cast %add3A_748 : i32 to index
        %get3A_750 = tpu.vector_load %arg6[%get3A_749] {strides = array<i32>} : memref<64000xf32, #tpu.memory_space<vmem>>, vector<16xf32>,
        %add3A_751 = arith.constant 13 : i32
        %add3A_752 = arith.addi %mul3A_73, %add3A_751 : i32
        %mul3A_753 = arith.constant 64 : i32
        %mul3A_754 = arith.muli %add3A_752, %mul3A_753 : i32
        %add3A_755 = arith.constant 32 : i32
        %add3A_756 = arith.addi %mul3A_754, %add3A_755 : i32
        %swap3A_757 = arith.index_cast %add3A_756 : i32 to index
        %swap3A_758 = tpu.vector_load %arg8[%swap3A_757] {strides = array<i32>} : memref<2048xf32, #tpu.memory_space<vmem>>, vector<16xf32>,
        tpu.vector_store %arg8[%swap3A_757], %get3A_750 {strides = array<i32>} : memref<2048xf32, #tpu.memory_space<vmem>>, vector<16xf32>,
        %add3A_759 = arith.constant 48 : i32
        %add3A_760 = arith.addi %squeeze3A_722, %add3A_759 : i32
        %get3A_761 = arith.index_cast %add3A_760 : i32 to index
        %get3A_762 = tpu.vector_load %arg6[%get3A_761] {strides = array<i32>} : memref<64000xf32, #tpu.memory_space<vmem>>, vector<16xf32>,
        %add3A_763 = arith.constant 13 : i32
        %add3A_764 = arith.addi %mul3A_73, %add3A_763 : i32
        %mul3A_765 = arith.constant 64 : i32
        %mul3A_766 = arith.muli %add3A_764, %mul3A_765 : i32
        %add3A_767 = arith.constant 48 : i32
        %add3A_768 = arith.addi %mul3A_766, %add3A_767 : i32
        %swap3A_769 = arith.index_cast %add3A_768 : i32 to index
        %swap3A_770 = tpu.vector_load %arg8[%swap3A_769] {strides = array<i32>} : memref<2048xf32, #tpu.memory_space<vmem>>, vector<16xf32>,
        tpu.vector_store %arg8[%swap3A_769], %get3A_762 {strides = array<i32>} : memref<2048xf32, #tpu.memory_space<vmem>>, vector<16xf32>,
        %slice3A_771 = vector.extract_strided_slice %mul3A_71 {offsets = [14], sizes = [1], strides = [1]} : vector<16xi32> to vector<1xi32>
        %squeeze3A_772 = vector.extract %slice3A_771[0] : i32 from vector<1xi32>
        %add3A_773 = arith.constant 0 : i32
        %add3A_774 = arith.addi %squeeze3A_772, %add3A_773 : i32
        %get3A_775 = arith.index_cast %add3A_774 : i32 to index
        %get3A_776 = tpu.vector_load %arg6[%get3A_775] {strides = array<i32>} : memref<64000xf32, #tpu.memory_space<vmem>>, vector<16xf32>,
        %add3A_777 = arith.constant 14 : i32
        %add3A_778 = arith.addi %mul3A_73, %add3A_777 : i32
        %mul3A_779 = arith.constant 64 : i32
        %mul3A_780 = arith.muli %add3A_778, %mul3A_779 : i32
        %add3A_781 = arith.constant 0 : i32
        %add3A_782 = arith.addi %mul3A_780, %add3A_781 : i32
        %swap3A_783 = arith.index_cast %add3A_782 : i32 to index
        %swap3A_784 = tpu.vector_load %arg8[%swap3A_783] {strides = array<i32>} : memref<2048xf32, #tpu.memory_space<vmem>>, vector<16xf32>,
        tpu.vector_store %arg8[%swap3A_783], %get3A_776 {strides = array<i32>} : memref<2048xf32, #tpu.memory_space<vmem>>, vector<16xf32>,
        %add3A_785 = arith.constant 16 : i32
        %add3A_786 = arith.addi %squeeze3A_772, %add3A_785 : i32
        %get3A_787 = arith.index_cast %add3A_786 : i32 to index
        %get3A_788 = tpu.vector_load %arg6[%get3A_787] {strides = array<i32>} : memref<64000xf32, #tpu.memory_space<vmem>>, vector<16xf32>,
        %add3A_789 = arith.constant 14 : i32
        %add3A_790 = arith.addi %mul3A_73, %add3A_789 : i32
        %mul3A_791 = arith.constant 64 : i32
        %mul3A_792 = arith.muli %add3A_790, %mul3A_791 : i32
        %add3A_793 = arith.constant 16 : i32
        %add3A_794 = arith.addi %mul3A_792, %add3A_793 : i32
        %swap3A_795 = arith.index_cast %add3A_794 : i32 to index
        %swap3A_796 = tpu.vector_load %arg8[%swap3A_795] {strides = array<i32>} : memref<2048xf32, #tpu.memory_space<vmem>>, vector<16xf32>,
        tpu.vector_store %arg8[%swap3A_795], %get3A_788 {strides = array<i32>} : memref<2048xf32, #tpu.memory_space<vmem>>, vector<16xf32>,
        %add3A_797 = arith.constant 32 : i32
        %add3A_798 = arith.addi %squeeze3A_772, %add3A_797 : i32
        %get3A_799 = arith.index_cast %add3A_798 : i32 to index
        %get3A_800 = tpu.vector_load %arg6[%get3A_799] {strides = array<i32>} : memref<64000xf32, #tpu.memory_space<vmem>>, vector<16xf32>,
        %add3A_801 = arith.constant 14 : i32
        %add3A_802 = arith.addi %mul3A_73, %add3A_801 : i32
        %mul3A_803 = arith.constant 64 : i32
        %mul3A_804 = arith.muli %add3A_802, %mul3A_803 : i32
        %add3A_805 = arith.constant 32 : i32
        %add3A_806 = arith.addi %mul3A_804, %add3A_805 : i32
        %swap3A_807 = arith.index_cast %add3A_806 : i32 to index
        %swap3A_808 = tpu.vector_load %arg8[%swap3A_807] {strides = array<i32>} : memref<2048xf32, #tpu.memory_space<vmem>>, vector<16xf32>,
        tpu.vector_store %arg8[%swap3A_807], %get3A_800 {strides = array<i32>} : memref<2048xf32, #tpu.memory_space<vmem>>, vector<16xf32>,
        %add3A_809 = arith.constant 48 : i32
        %add3A_810 = arith.addi %squeeze3A_772, %add3A_809 : i32
        %get3A_811 = arith.index_cast %add3A_810 : i32 to index
        %get3A_812 = tpu.vector_load %arg6[%get3A_811] {strides = array<i32>} : memref<64000xf32, #tpu.memory_space<vmem>>, vector<16xf32>,
        %add3A_813 = arith.constant 14 : i32
        %add3A_814 = arith.addi %mul3A_73, %add3A_813 : i32
        %mul3A_815 = arith.constant 64 : i32
        %mul3A_816 = arith.muli %add3A_814, %mul3A_815 : i32
        %add3A_817 = arith.constant 48 : i32
        %add3A_818 = arith.addi %mul3A_816, %add3A_817 : i32
        %swap3A_819 = arith.index_cast %add3A_818 : i32 to index
        %swap3A_820 = tpu.vector_load %arg8[%swap3A_819] {strides = array<i32>} : memref<2048xf32, #tpu.memory_space<vmem>>, vector<16xf32>,
        tpu.vector_store %arg8[%swap3A_819], %get3A_812 {strides = array<i32>} : memref<2048xf32, #tpu.memory_space<vmem>>, vector<16xf32>,
        %slice3A_821 = vector.extract_strided_slice %mul3A_71 {offsets = [15], sizes = [1], strides = [1]} : vector<16xi32> to vector<1xi32>
        %squeeze3A_822 = vector.extract %slice3A_821[0] : i32 from vector<1xi32>
        %add3A_823 = arith.constant 0 : i32
        %add3A_824 = arith.addi %squeeze3A_822, %add3A_823 : i32
        %get3A_825 = arith.index_cast %add3A_824 : i32 to index
        %get3A_826 = tpu.vector_load %arg6[%get3A_825] {strides = array<i32>} : memref<64000xf32, #tpu.memory_space<vmem>>, vector<16xf32>,
        %add3A_827 = arith.constant 15 : i32
        %add3A_828 = arith.addi %mul3A_73, %add3A_827 : i32
        %mul3A_829 = arith.constant 64 : i32
        %mul3A_830 = arith.muli %add3A_828, %mul3A_829 : i32
        %add3A_831 = arith.constant 0 : i32
        %add3A_832 = arith.addi %mul3A_830, %add3A_831 : i32
        %swap3A_833 = arith.index_cast %add3A_832 : i32 to index
        %swap3A_834 = tpu.vector_load %arg8[%swap3A_833] {strides = array<i32>} : memref<2048xf32, #tpu.memory_space<vmem>>, vector<16xf32>,
        tpu.vector_store %arg8[%swap3A_833], %get3A_826 {strides = array<i32>} : memref<2048xf32, #tpu.memory_space<vmem>>, vector<16xf32>,
        %add3A_835 = arith.constant 16 : i32
        %add3A_836 = arith.addi %squeeze3A_822, %add3A_835 : i32
        %get3A_837 = arith.index_cast %add3A_836 : i32 to index
        %get3A_838 = tpu.vector_load %arg6[%get3A_837] {strides = array<i32>} : memref<64000xf32, #tpu.memory_space<vmem>>, vector<16xf32>,
        %add3A_839 = arith.constant 15 : i32
        %add3A_840 = arith.addi %mul3A_73, %add3A_839 : i32
        %mul3A_841 = arith.constant 64 : i32
        %mul3A_842 = arith.muli %add3A_840, %mul3A_841 : i32
        %add3A_843 = arith.constant 16 : i32
        %add3A_844 = arith.addi %mul3A_842, %add3A_843 : i32
        %swap3A_845 = arith.index_cast %add3A_844 : i32 to index
        %swap3A_846 = tpu.vector_load %arg8[%swap3A_845] {strides = array<i32>} : memref<2048xf32, #tpu.memory_space<vmem>>, vector<16xf32>,
        tpu.vector_store %arg8[%swap3A_845], %get3A_838 {strides = array<i32>} : memref<2048xf32, #tpu.memory_space<vmem>>, vector<16xf32>,
        %add3A_847 = arith.constant 32 : i32
        %add3A_848 = arith.addi %squeeze3A_822, %add3A_847 : i32
        %get3A_849 = arith.index_cast %add3A_848 : i32 to index
        %get3A_850 = tpu.vector_load %arg6[%get3A_849] {strides = array<i32>} : memref<64000xf32, #tpu.memory_space<vmem>>, vector<16xf32>,
        %add3A_851 = arith.constant 15 : i32
        %add3A_852 = arith.addi %mul3A_73, %add3A_851 : i32
        %mul3A_853 = arith.constant 64 : i32
        %mul3A_854 = arith.muli %add3A_852, %mul3A_853 : i32
        %add3A_855 = arith.constant 32 : i32
        %add3A_856 = arith.addi %mul3A_854, %add3A_855 : i32
        %swap3A_857 = arith.index_cast %add3A_856 : i32 to index
        %swap3A_858 = tpu.vector_load %arg8[%swap3A_857] {strides = array<i32>} : memref<2048xf32, #tpu.memory_space<vmem>>, vector<16xf32>,
        tpu.vector_store %arg8[%swap3A_857], %get3A_850 {strides = array<i32>} : memref<2048xf32, #tpu.memory_space<vmem>>, vector<16xf32>,
        %add3A_859 = arith.constant 48 : i32
        %add3A_860 = arith.addi %squeeze3A_822, %add3A_859 : i32
        %get3A_861 = arith.index_cast %add3A_860 : i32 to index
        %get3A_862 = tpu.vector_load %arg6[%get3A_861] {strides = array<i32>} : memref<64000xf32, #tpu.memory_space<vmem>>, vector<16xf32>,
        %add3A_863 = arith.constant 15 : i32
        %add3A_864 = arith.addi %mul3A_73, %add3A_863 : i32
        %mul3A_865 = arith.constant 64 : i32
        %mul3A_866 = arith.muli %add3A_864, %mul3A_865 : i32
        %add3A_867 = arith.constant 48 : i32
        %add3A_868 = arith.addi %mul3A_866, %add3A_867 : i32
        %swap3A_869 = arith.index_cast %add3A_868 : i32 to index
        %swap3A_870 = tpu.vector_load %arg8[%swap3A_869] {strides = array<i32>} : memref<2048xf32, #tpu.memory_space<vmem>>, vector<16xf32>,
        tpu.vector_store %arg8[%swap3A_869], %get3A_862 {strides = array<i32>} : memref<2048xf32, #tpu.memory_space<vmem>>, vector<16xf32>,
      }
      %scan3A_54 = arith.constant 2 : i32
      %mul3A_55 = arith.constant 32 : i32
      %mul3A_56 = arith.muli %add3A_43, %mul3A_55 : i32
      %add3A_57 = arith.addi %mul3A_2, %mul3A_56 : i32
      %mul3A_58 = arith.constant 64 : i32
      %mul3A_59 = arith.muli %add3A_57, %mul3A_58 : i32
      %dma_start3A_60 = tpu.memref_slice %arg4[%mul3A_59] : memref<3276800xf32, #tpu.memory_space<hbm>> -> memref<2048xf32, #tpu.memory_space<hbm>>
      %dma_start3A_61 = tpu.memref_slice %arg4[%mul3A_59] : memref<3276800xf32, #tpu.memory_space<hbm>> -> memref<2048xf32, #tpu.memory_space<hbm>>
      tpu.enqueue_dma source(%arg8 : memref<2048xf32, #tpu.memory_space<vmem>>) target(%dma_start3A_61 : memref<2048xf32, #tpu.memory_space<hbm>>) target_semaphore(%arg12 : memref<!tpu.dma_semaphore, #tpu.memory_space<semaphore_mem>>)
    }
    %scan3A_9 = arith.constant 25 : i32
    %add3A_10 = arith.constant 1536 : i32
    %add3A_11 = arith.addi %mul3A_2, %add3A_10 : i32
    %mul3A_12 = arith.constant 64 : i32
    %mul3A_13 = arith.muli %add3A_11, %mul3A_12 : i32
    %dma_wait3A_14 = tpu.memref_slice %arg4[%mul3A_13] : memref<3276800xf32, #tpu.memory_space<hbm>> -> memref<2048xf32, #tpu.memory_space<hbm>>
    %dma_wait3A_15 = tpu.memref_slice %arg4[%mul3A_13] : memref<3276800xf32, #tpu.memory_space<hbm>> -> memref<2048xf32, #tpu.memory_space<hbm>>
    tpu.wait_dma2 semaphore(%arg11 : memref<!tpu.dma_semaphore, #tpu.memory_space<semaphore_mem>>) src(%arg7 : memref<2048xf32, #tpu.memory_space<vmem>>) dst(%dma_wait3A_15 : memref<2048xf32, #tpu.memory_space<hbm>>)
    %add3A_16 = arith.constant 1568 : i32
    %add3A_17 = arith.addi %mul3A_2, %add3A_16 : i32
    %mul3A_18 = arith.constant 64 : i32
    %mul3A_19 = arith.muli %add3A_17, %mul3A_18 : i32
    %dma_wait3A_20 = tpu.memref_slice %arg4[%mul3A_19] : memref<3276800xf32, #tpu.memory_space<hbm>> -> memref<2048xf32, #tpu.memory_space<hbm>>
    %dma_wait3A_21 = tpu.memref_slice %arg4[%mul3A_19] : memref<3276800xf32, #tpu.memory_space<hbm>> -> memref<2048xf32, #tpu.memory_space<hbm>>
    tpu.wait_dma2 semaphore(%arg12 : memref<!tpu.dma_semaphore, #tpu.memory_space<semaphore_mem>>) src(%arg8 : memref<2048xf32, #tpu.memory_space<vmem>>) dst(%dma_wait3A_21 : memref<2048xf32, #tpu.memory_space<hbm>>)
    return
  }
}

module attributes {stable_mosaic.version = 14 : i64} {
  func.func @_argmax_body(%arg0: i32, %arg1: memref<1024x50x1000xf32, #tpu.memory_space<any>>, %arg2: memref<64x50xi32, #tpu.memory_space<vmem>>, %arg3: memref<2x64x50x1000xf32, #tpu.memory_space<vmem>>, %arg4: memref<2x4x!tpu.dma_semaphore, #tpu.memory_space<semaphore_mem>>) attributes {dimension_semantics = [#tpu.dimension_semantics<arbitrary>], iteration_bounds = array<i64: 16>, scalar_prefetch = 0 : i64, scratch_operands = 2 : i64, tpu.core_type = #tpu.core_type<tc>, window_params = [{}, {transform_indices = @transform_1, window_bounds = array<i64: 64, 50>}]} {
    %eq3A = arith.constant 0 : i32
    %eq3A_0 = arith.cmpi eq, %arg0, %eq3A : i32
    %convert_element_type3A = arith.extui %eq3A_0 : i1 to i32
    %cond3A = arith.constant 0 : i32
    %cond3A_1 = arith.cmpi ne, %convert_element_type3A, %cond3A : i32
    scf.if %cond3A_1 {
      %dma_start3A = arith.constant 0 : i32
      %dma_start3A_106 = arith.constant 0 : i32
      %dma_start3A_107 = arith.constant 0 : i32
      %dma_start3A_108 = tpu.memref_slice %arg4[%dma_start3A_106, %dma_start3A_107] : memref<2x4x!tpu.dma_semaphore, #tpu.memory_space<semaphore_mem>> -> memref<1x1x!tpu.dma_semaphore, #tpu.memory_space<semaphore_mem>>
      %dma_start3A_109 = tpu.memref_squeeze %dma_start3A_108 : memref<1x1x!tpu.dma_semaphore, #tpu.memory_space<semaphore_mem>> -> memref<!tpu.dma_semaphore, #tpu.memory_space<semaphore_mem>>
      %dma_start3A_110 = arith.constant 0 : i32
      %dma_start3A_111 = arith.constant 0 : i32
      %dma_start3A_112 = arith.constant 0 : i32
      %dma_start3A_113 = tpu.memref_slice %arg3[%dma_start3A, %dma_start3A_110, %dma_start3A_111, %dma_start3A_112] : memref<2x64x50x1000xf32, #tpu.memory_space<vmem>> -> memref<1x16x50x1000xf32, #tpu.memory_space<vmem>>
      %dma_start3A_114 = tpu.memref_squeeze %dma_start3A_113 : memref<1x16x50x1000xf32, #tpu.memory_space<vmem>> -> memref<16x50x1000xf32, #tpu.memory_space<vmem>>
      %dma_start3A_115 = arith.constant 0 : i32
      %dma_start3A_116 = arith.constant 0 : i32
      %dma_start3A_117 = arith.constant 0 : i32
      %dma_start3A_118 = tpu.memref_slice %arg1[%dma_start3A_115, %dma_start3A_116, %dma_start3A_117] : memref<1024x50x1000xf32, #tpu.memory_space<any>> -> memref<16x50x1000xf32, #tpu.memory_space<any>>
      tpu.enqueue_dma source(%dma_start3A_118 : memref<16x50x1000xf32, #tpu.memory_space<any>>) target(%dma_start3A_114 : memref<16x50x1000xf32, #tpu.memory_space<vmem>>) target_semaphore(%dma_start3A_109 : memref<!tpu.dma_semaphore, #tpu.memory_space<semaphore_mem>>)
      %dma_start3A_119 = arith.constant 0 : i32
      %dma_start3A_120 = arith.constant 0 : i32
      %dma_start3A_121 = arith.constant 1 : i32
      %dma_start3A_122 = tpu.memref_slice %arg4[%dma_start3A_120, %dma_start3A_121] : memref<2x4x!tpu.dma_semaphore, #tpu.memory_space<semaphore_mem>> -> memref<1x1x!tpu.dma_semaphore, #tpu.memory_space<semaphore_mem>>
      %dma_start3A_123 = tpu.memref_squeeze %dma_start3A_122 : memref<1x1x!tpu.dma_semaphore, #tpu.memory_space<semaphore_mem>> -> memref<!tpu.dma_semaphore, #tpu.memory_space<semaphore_mem>>
      %dma_start3A_124 = arith.constant 16 : i32
      %dma_start3A_125 = arith.constant 0 : i32
      %dma_start3A_126 = arith.constant 0 : i32
      %dma_start3A_127 = tpu.memref_slice %arg3[%dma_start3A_119, %dma_start3A_124, %dma_start3A_125, %dma_start3A_126] : memref<2x64x50x1000xf32, #tpu.memory_space<vmem>> -> memref<1x16x50x1000xf32, #tpu.memory_space<vmem>>
      %dma_start3A_128 = tpu.memref_squeeze %dma_start3A_127 : memref<1x16x50x1000xf32, #tpu.memory_space<vmem>> -> memref<16x50x1000xf32, #tpu.memory_space<vmem>>
      %dma_start3A_129 = arith.constant 16 : i32
      %dma_start3A_130 = arith.constant 0 : i32
      %dma_start3A_131 = arith.constant 0 : i32
      %dma_start3A_132 = tpu.memref_slice %arg1[%dma_start3A_129, %dma_start3A_130, %dma_start3A_131] : memref<1024x50x1000xf32, #tpu.memory_space<any>> -> memref<16x50x1000xf32, #tpu.memory_space<any>>
      tpu.enqueue_dma source(%dma_start3A_132 : memref<16x50x1000xf32, #tpu.memory_space<any>>) target(%dma_start3A_128 : memref<16x50x1000xf32, #tpu.memory_space<vmem>>) target_semaphore(%dma_start3A_123 : memref<!tpu.dma_semaphore, #tpu.memory_space<semaphore_mem>>)
      %dma_start3A_133 = arith.constant 0 : i32
      %dma_start3A_134 = arith.constant 0 : i32
      %dma_start3A_135 = arith.constant 2 : i32
      %dma_start3A_136 = tpu.memref_slice %arg4[%dma_start3A_134, %dma_start3A_135] : memref<2x4x!tpu.dma_semaphore, #tpu.memory_space<semaphore_mem>> -> memref<1x1x!tpu.dma_semaphore, #tpu.memory_space<semaphore_mem>>
      %dma_start3A_137 = tpu.memref_squeeze %dma_start3A_136 : memref<1x1x!tpu.dma_semaphore, #tpu.memory_space<semaphore_mem>> -> memref<!tpu.dma_semaphore, #tpu.memory_space<semaphore_mem>>
      %dma_start3A_138 = arith.constant 32 : i32
      %dma_start3A_139 = arith.constant 0 : i32
      %dma_start3A_140 = arith.constant 0 : i32
      %dma_start3A_141 = tpu.memref_slice %arg3[%dma_start3A_133, %dma_start3A_138, %dma_start3A_139, %dma_start3A_140] : memref<2x64x50x1000xf32, #tpu.memory_space<vmem>> -> memref<1x16x50x1000xf32, #tpu.memory_space<vmem>>
      %dma_start3A_142 = tpu.memref_squeeze %dma_start3A_141 : memref<1x16x50x1000xf32, #tpu.memory_space<vmem>> -> memref<16x50x1000xf32, #tpu.memory_space<vmem>>
      %dma_start3A_143 = arith.constant 32 : i32
      %dma_start3A_144 = arith.constant 0 : i32
      %dma_start3A_145 = arith.constant 0 : i32
      %dma_start3A_146 = tpu.memref_slice %arg1[%dma_start3A_143, %dma_start3A_144, %dma_start3A_145] : memref<1024x50x1000xf32, #tpu.memory_space<any>> -> memref<16x50x1000xf32, #tpu.memory_space<any>>
      tpu.enqueue_dma source(%dma_start3A_146 : memref<16x50x1000xf32, #tpu.memory_space<any>>) target(%dma_start3A_142 : memref<16x50x1000xf32, #tpu.memory_space<vmem>>) target_semaphore(%dma_start3A_137 : memref<!tpu.dma_semaphore, #tpu.memory_space<semaphore_mem>>)
      %dma_start3A_147 = arith.constant 0 : i32
      %dma_start3A_148 = arith.constant 0 : i32
      %dma_start3A_149 = arith.constant 3 : i32
      %dma_start3A_150 = tpu.memref_slice %arg4[%dma_start3A_148, %dma_start3A_149] : memref<2x4x!tpu.dma_semaphore, #tpu.memory_space<semaphore_mem>> -> memref<1x1x!tpu.dma_semaphore, #tpu.memory_space<semaphore_mem>>
      %dma_start3A_151 = tpu.memref_squeeze %dma_start3A_150 : memref<1x1x!tpu.dma_semaphore, #tpu.memory_space<semaphore_mem>> -> memref<!tpu.dma_semaphore, #tpu.memory_space<semaphore_mem>>
      %dma_start3A_152 = arith.constant 48 : i32
      %dma_start3A_153 = arith.constant 0 : i32
      %dma_start3A_154 = arith.constant 0 : i32
      %dma_start3A_155 = tpu.memref_slice %arg3[%dma_start3A_147, %dma_start3A_152, %dma_start3A_153, %dma_start3A_154] : memref<2x64x50x1000xf32, #tpu.memory_space<vmem>> -> memref<1x16x50x1000xf32, #tpu.memory_space<vmem>>
      %dma_start3A_156 = tpu.memref_squeeze %dma_start3A_155 : memref<1x16x50x1000xf32, #tpu.memory_space<vmem>> -> memref<16x50x1000xf32, #tpu.memory_space<vmem>>
      %dma_start3A_157 = arith.constant 48 : i32
      %dma_start3A_158 = arith.constant 0 : i32
      %dma_start3A_159 = arith.constant 0 : i32
      %dma_start3A_160 = tpu.memref_slice %arg1[%dma_start3A_157, %dma_start3A_158, %dma_start3A_159] : memref<1024x50x1000xf32, #tpu.memory_space<any>> -> memref<16x50x1000xf32, #tpu.memory_space<any>>
      tpu.enqueue_dma source(%dma_start3A_160 : memref<16x50x1000xf32, #tpu.memory_space<any>>) target(%dma_start3A_156 : memref<16x50x1000xf32, #tpu.memory_space<vmem>>) target_semaphore(%dma_start3A_151 : memref<!tpu.dma_semaphore, #tpu.memory_space<semaphore_mem>>)
    } else {
    }
    %add3A = arith.constant 1 : i32
    %add3A_2 = arith.addi %arg0, %add3A : i32
    %lt3A = arith.constant 16 : i32
    %lt3A_3 = arith.cmpi slt, %add3A_2, %lt3A : i32
    %convert_element_type3A_4 = arith.extui %lt3A_3 : i1 to i32
    %cond3A_5 = arith.constant 0 : i32
    %cond3A_6 = arith.cmpi ne, %convert_element_type3A_4, %cond3A_5 : i32
    scf.if %cond3A_6 {
      %add3A_106 = arith.constant 1 : i32
      %add3A_107 = arith.addi %arg0, %add3A_106 : i32
      %add3A_108 = arith.constant 1 : i32
      %add3A_109 = arith.addi %arg0, %add3A_108 : i32
      %jit3A_110 = arith.constant 2 : i32
      %eq3A_111 = arith.constant 0 : i32
      %eq3A_112 = arith.cmpi eq, %jit3A_110, %eq3A_111 : i32
      %jit3A_113 = arith.constant 1 : i32
      %select_n3A_114 = arith.select %eq3A_112, %jit3A_113, %jit3A_110 : i32
      %rem3A_115 = arith.remsi %add3A_109, %select_n3A_114 : i32
      %ne3A_116 = arith.constant 0 : i32
      %ne3A_117 = arith.cmpi ne, %rem3A_115, %ne3A_116 : i32
      %lt3A_118 = arith.constant 0 : i32
      %lt3A_119 = arith.cmpi slt, %rem3A_115, %lt3A_118 : i32
      %lt3A_120 = arith.constant 0 : i32
      %lt3A_121 = arith.cmpi slt, %select_n3A_114, %lt3A_120 : i32
      %ne3A_122 = arith.xori %lt3A_119, %lt3A_121 : i1
      %and3A_123 = arith.andi %ne3A_122, %ne3A_117 : i1
      %add3A_124 = arith.addi %rem3A_115, %select_n3A_114 : i32
      %select_n3A_125 = arith.select %and3A_123, %add3A_124, %rem3A_115 : i32
      %mul3A_126 = arith.constant 64 : i32
      %mul3A_127 = arith.muli %add3A_107, %mul3A_126 : i32
      %add3A_128 = arith.constant 0 : i32
      %add3A_129 = arith.addi %mul3A_127, %add3A_128 : i32
      %dma_start3A = arith.constant 0 : i32
      %dma_start3A_130 = tpu.memref_slice %arg4[%select_n3A_125, %dma_start3A] : memref<2x4x!tpu.dma_semaphore, #tpu.memory_space<semaphore_mem>> -> memref<1x1x!tpu.dma_semaphore, #tpu.memory_space<semaphore_mem>>
      %dma_start3A_131 = tpu.memref_squeeze %dma_start3A_130 : memref<1x1x!tpu.dma_semaphore, #tpu.memory_space<semaphore_mem>> -> memref<!tpu.dma_semaphore, #tpu.memory_space<semaphore_mem>>
      %dma_start3A_132 = arith.constant 0 : i32
      %dma_start3A_133 = arith.constant 0 : i32
      %dma_start3A_134 = arith.constant 0 : i32
      %dma_start3A_135 = tpu.memref_slice %arg3[%select_n3A_125, %dma_start3A_132, %dma_start3A_133, %dma_start3A_134] : memref<2x64x50x1000xf32, #tpu.memory_space<vmem>> -> memref<1x16x50x1000xf32, #tpu.memory_space<vmem>>
      %dma_start3A_136 = tpu.memref_squeeze %dma_start3A_135 : memref<1x16x50x1000xf32, #tpu.memory_space<vmem>> -> memref<16x50x1000xf32, #tpu.memory_space<vmem>>
      %dma_start3A_137 = arith.constant 0 : i32
      %dma_start3A_138 = arith.constant 0 : i32
      %dma_start3A_139 = tpu.memref_slice %arg1[%add3A_129, %dma_start3A_137, %dma_start3A_138] : memref<1024x50x1000xf32, #tpu.memory_space<any>> -> memref<16x50x1000xf32, #tpu.memory_space<any>>
      tpu.enqueue_dma source(%dma_start3A_139 : memref<16x50x1000xf32, #tpu.memory_space<any>>) target(%dma_start3A_136 : memref<16x50x1000xf32, #tpu.memory_space<vmem>>) target_semaphore(%dma_start3A_131 : memref<!tpu.dma_semaphore, #tpu.memory_space<semaphore_mem>>)
      %mul3A_140 = arith.constant 64 : i32
      %mul3A_141 = arith.muli %add3A_107, %mul3A_140 : i32
      %add3A_142 = arith.constant 16 : i32
      %add3A_143 = arith.addi %mul3A_141, %add3A_142 : i32
      %dma_start3A_144 = arith.constant 1 : i32
      %dma_start3A_145 = tpu.memref_slice %arg4[%select_n3A_125, %dma_start3A_144] : memref<2x4x!tpu.dma_semaphore, #tpu.memory_space<semaphore_mem>> -> memref<1x1x!tpu.dma_semaphore, #tpu.memory_space<semaphore_mem>>
      %dma_start3A_146 = tpu.memref_squeeze %dma_start3A_145 : memref<1x1x!tpu.dma_semaphore, #tpu.memory_space<semaphore_mem>> -> memref<!tpu.dma_semaphore, #tpu.memory_space<semaphore_mem>>
      %dma_start3A_147 = arith.constant 16 : i32
      %dma_start3A_148 = arith.constant 0 : i32
      %dma_start3A_149 = arith.constant 0 : i32
      %dma_start3A_150 = tpu.memref_slice %arg3[%select_n3A_125, %dma_start3A_147, %dma_start3A_148, %dma_start3A_149] : memref<2x64x50x1000xf32, #tpu.memory_space<vmem>> -> memref<1x16x50x1000xf32, #tpu.memory_space<vmem>>
      %dma_start3A_151 = tpu.memref_squeeze %dma_start3A_150 : memref<1x16x50x1000xf32, #tpu.memory_space<vmem>> -> memref<16x50x1000xf32, #tpu.memory_space<vmem>>
      %dma_start3A_152 = arith.constant 0 : i32
      %dma_start3A_153 = arith.constant 0 : i32
      %dma_start3A_154 = tpu.memref_slice %arg1[%add3A_143, %dma_start3A_152, %dma_start3A_153] : memref<1024x50x1000xf32, #tpu.memory_space<any>> -> memref<16x50x1000xf32, #tpu.memory_space<any>>
      tpu.enqueue_dma source(%dma_start3A_154 : memref<16x50x1000xf32, #tpu.memory_space<any>>) target(%dma_start3A_151 : memref<16x50x1000xf32, #tpu.memory_space<vmem>>) target_semaphore(%dma_start3A_146 : memref<!tpu.dma_semaphore, #tpu.memory_space<semaphore_mem>>)
      %mul3A_155 = arith.constant 64 : i32
      %mul3A_156 = arith.muli %add3A_107, %mul3A_155 : i32
      %add3A_157 = arith.constant 32 : i32
      %add3A_158 = arith.addi %mul3A_156, %add3A_157 : i32
      %dma_start3A_159 = arith.constant 2 : i32
      %dma_start3A_160 = tpu.memref_slice %arg4[%select_n3A_125, %dma_start3A_159] : memref<2x4x!tpu.dma_semaphore, #tpu.memory_space<semaphore_mem>> -> memref<1x1x!tpu.dma_semaphore, #tpu.memory_space<semaphore_mem>>
      %dma_start3A_161 = tpu.memref_squeeze %dma_start3A_160 : memref<1x1x!tpu.dma_semaphore, #tpu.memory_space<semaphore_mem>> -> memref<!tpu.dma_semaphore, #tpu.memory_space<semaphore_mem>>
      %dma_start3A_162 = arith.constant 32 : i32
      %dma_start3A_163 = arith.constant 0 : i32
      %dma_start3A_164 = arith.constant 0 : i32
      %dma_start3A_165 = tpu.memref_slice %arg3[%select_n3A_125, %dma_start3A_162, %dma_start3A_163, %dma_start3A_164] : memref<2x64x50x1000xf32, #tpu.memory_space<vmem>> -> memref<1x16x50x1000xf32, #tpu.memory_space<vmem>>
      %dma_start3A_166 = tpu.memref_squeeze %dma_start3A_165 : memref<1x16x50x1000xf32, #tpu.memory_space<vmem>> -> memref<16x50x1000xf32, #tpu.memory_space<vmem>>
      %dma_start3A_167 = arith.constant 0 : i32
      %dma_start3A_168 = arith.constant 0 : i32
      %dma_start3A_169 = tpu.memref_slice %arg1[%add3A_158, %dma_start3A_167, %dma_start3A_168] : memref<1024x50x1000xf32, #tpu.memory_space<any>> -> memref<16x50x1000xf32, #tpu.memory_space<any>>
      tpu.enqueue_dma source(%dma_start3A_169 : memref<16x50x1000xf32, #tpu.memory_space<any>>) target(%dma_start3A_166 : memref<16x50x1000xf32, #tpu.memory_space<vmem>>) target_semaphore(%dma_start3A_161 : memref<!tpu.dma_semaphore, #tpu.memory_space<semaphore_mem>>)
      %mul3A_170 = arith.constant 64 : i32
      %mul3A_171 = arith.muli %add3A_107, %mul3A_170 : i32
      %add3A_172 = arith.constant 48 : i32
      %add3A_173 = arith.addi %mul3A_171, %add3A_172 : i32
      %dma_start3A_174 = arith.constant 3 : i32
      %dma_start3A_175 = tpu.memref_slice %arg4[%select_n3A_125, %dma_start3A_174] : memref<2x4x!tpu.dma_semaphore, #tpu.memory_space<semaphore_mem>> -> memref<1x1x!tpu.dma_semaphore, #tpu.memory_space<semaphore_mem>>
      %dma_start3A_176 = tpu.memref_squeeze %dma_start3A_175 : memref<1x1x!tpu.dma_semaphore, #tpu.memory_space<semaphore_mem>> -> memref<!tpu.dma_semaphore, #tpu.memory_space<semaphore_mem>>
      %dma_start3A_177 = arith.constant 48 : i32
      %dma_start3A_178 = arith.constant 0 : i32
      %dma_start3A_179 = arith.constant 0 : i32
      %dma_start3A_180 = tpu.memref_slice %arg3[%select_n3A_125, %dma_start3A_177, %dma_start3A_178, %dma_start3A_179] : memref<2x64x50x1000xf32, #tpu.memory_space<vmem>> -> memref<1x16x50x1000xf32, #tpu.memory_space<vmem>>
      %dma_start3A_181 = tpu.memref_squeeze %dma_start3A_180 : memref<1x16x50x1000xf32, #tpu.memory_space<vmem>> -> memref<16x50x1000xf32, #tpu.memory_space<vmem>>
      %dma_start3A_182 = arith.constant 0 : i32
      %dma_start3A_183 = arith.constant 0 : i32
      %dma_start3A_184 = tpu.memref_slice %arg1[%add3A_173, %dma_start3A_182, %dma_start3A_183] : memref<1024x50x1000xf32, #tpu.memory_space<any>> -> memref<16x50x1000xf32, #tpu.memory_space<any>>
      tpu.enqueue_dma source(%dma_start3A_184 : memref<16x50x1000xf32, #tpu.memory_space<any>>) target(%dma_start3A_181 : memref<16x50x1000xf32, #tpu.memory_space<vmem>>) target_semaphore(%dma_start3A_176 : memref<!tpu.dma_semaphore, #tpu.memory_space<semaphore_mem>>)
    } else {
    }
    %jit3A = arith.constant 2 : i32
    %eq3A_7 = arith.constant 0 : i32
    %eq3A_8 = arith.cmpi eq, %jit3A, %eq3A_7 : i32
    %jit3A_9 = arith.constant 1 : i32
    %select_n3A = arith.select %eq3A_8, %jit3A_9, %jit3A : i32
    %rem3A = arith.remsi %arg0, %select_n3A : i32
    %ne3A = arith.constant 0 : i32
    %ne3A_10 = arith.cmpi ne, %rem3A, %ne3A : i32
    %lt3A_11 = arith.constant 0 : i32
    %lt3A_12 = arith.cmpi slt, %rem3A, %lt3A_11 : i32
    %lt3A_13 = arith.constant 0 : i32
    %lt3A_14 = arith.cmpi slt, %select_n3A, %lt3A_13 : i32
    %ne3A_15 = arith.xori %lt3A_12, %lt3A_14 : i1
    %and3A = arith.andi %ne3A_15, %ne3A_10 : i1
    %add3A_16 = arith.addi %rem3A, %select_n3A : i32
    %select_n3A_17 = arith.select %and3A, %add3A_16, %rem3A : i32
    %mul3A = arith.constant 64 : i32
    %mul3A_18 = arith.muli %arg0, %mul3A : i32
    %add3A_19 = arith.constant 0 : i32
    %add3A_20 = arith.addi %mul3A_18, %add3A_19 : i32
    %dma_wait3A = arith.constant 0 : i32
    %dma_wait3A_21 = tpu.memref_slice %arg4[%select_n3A_17, %dma_wait3A] : memref<2x4x!tpu.dma_semaphore, #tpu.memory_space<semaphore_mem>> -> memref<1x1x!tpu.dma_semaphore, #tpu.memory_space<semaphore_mem>>
    %dma_wait3A_22 = tpu.memref_squeeze %dma_wait3A_21 : memref<1x1x!tpu.dma_semaphore, #tpu.memory_space<semaphore_mem>> -> memref<!tpu.dma_semaphore, #tpu.memory_space<semaphore_mem>>
    %dma_wait3A_23 = arith.constant 0 : i32
    %dma_wait3A_24 = arith.constant 0 : i32
    %dma_wait3A_25 = arith.constant 0 : i32
    %dma_wait3A_26 = tpu.memref_slice %arg3[%select_n3A_17, %dma_wait3A_23, %dma_wait3A_24, %dma_wait3A_25] : memref<2x64x50x1000xf32, #tpu.memory_space<vmem>> -> memref<1x16x50x1000xf32, #tpu.memory_space<vmem>>
    %dma_wait3A_27 = tpu.memref_squeeze %dma_wait3A_26 : memref<1x16x50x1000xf32, #tpu.memory_space<vmem>> -> memref<16x50x1000xf32, #tpu.memory_space<vmem>>
    %dma_wait3A_28 = arith.constant 0 : i32
    %dma_wait3A_29 = arith.constant 0 : i32
    %dma_wait3A_30 = tpu.memref_slice %arg1[%add3A_20, %dma_wait3A_28, %dma_wait3A_29] : memref<1024x50x1000xf32, #tpu.memory_space<any>> -> memref<16x50x1000xf32, #tpu.memory_space<any>>
    tpu.wait_dma2 semaphore(%dma_wait3A_22 : memref<!tpu.dma_semaphore, #tpu.memory_space<semaphore_mem>>) src(%dma_wait3A_30 : memref<16x50x1000xf32, #tpu.memory_space<any>>) dst(%dma_wait3A_27 : memref<16x50x1000xf32, #tpu.memory_space<vmem>>)
    %mul3A_31 = arith.constant 64 : i32
    %mul3A_32 = arith.muli %arg0, %mul3A_31 : i32
    %add3A_33 = arith.constant 16 : i32
    %add3A_34 = arith.addi %mul3A_32, %add3A_33 : i32
    %dma_wait3A_35 = arith.constant 1 : i32
    %dma_wait3A_36 = tpu.memref_slice %arg4[%select_n3A_17, %dma_wait3A_35] : memref<2x4x!tpu.dma_semaphore, #tpu.memory_space<semaphore_mem>> -> memref<1x1x!tpu.dma_semaphore, #tpu.memory_space<semaphore_mem>>
    %dma_wait3A_37 = tpu.memref_squeeze %dma_wait3A_36 : memref<1x1x!tpu.dma_semaphore, #tpu.memory_space<semaphore_mem>> -> memref<!tpu.dma_semaphore, #tpu.memory_space<semaphore_mem>>
    %dma_wait3A_38 = arith.constant 16 : i32
    %dma_wait3A_39 = arith.constant 0 : i32
    %dma_wait3A_40 = arith.constant 0 : i32
    %dma_wait3A_41 = tpu.memref_slice %arg3[%select_n3A_17, %dma_wait3A_38, %dma_wait3A_39, %dma_wait3A_40] : memref<2x64x50x1000xf32, #tpu.memory_space<vmem>> -> memref<1x16x50x1000xf32, #tpu.memory_space<vmem>>
    %dma_wait3A_42 = tpu.memref_squeeze %dma_wait3A_41 : memref<1x16x50x1000xf32, #tpu.memory_space<vmem>> -> memref<16x50x1000xf32, #tpu.memory_space<vmem>>
    %dma_wait3A_43 = arith.constant 0 : i32
    %dma_wait3A_44 = arith.constant 0 : i32
    %dma_wait3A_45 = tpu.memref_slice %arg1[%add3A_34, %dma_wait3A_43, %dma_wait3A_44] : memref<1024x50x1000xf32, #tpu.memory_space<any>> -> memref<16x50x1000xf32, #tpu.memory_space<any>>
    tpu.wait_dma2 semaphore(%dma_wait3A_37 : memref<!tpu.dma_semaphore, #tpu.memory_space<semaphore_mem>>) src(%dma_wait3A_45 : memref<16x50x1000xf32, #tpu.memory_space<any>>) dst(%dma_wait3A_42 : memref<16x50x1000xf32, #tpu.memory_space<vmem>>)
    %mul3A_46 = arith.constant 64 : i32
    %mul3A_47 = arith.muli %arg0, %mul3A_46 : i32
    %add3A_48 = arith.constant 32 : i32
    %add3A_49 = arith.addi %mul3A_47, %add3A_48 : i32
    %dma_wait3A_50 = arith.constant 2 : i32
    %dma_wait3A_51 = tpu.memref_slice %arg4[%select_n3A_17, %dma_wait3A_50] : memref<2x4x!tpu.dma_semaphore, #tpu.memory_space<semaphore_mem>> -> memref<1x1x!tpu.dma_semaphore, #tpu.memory_space<semaphore_mem>>
    %dma_wait3A_52 = tpu.memref_squeeze %dma_wait3A_51 : memref<1x1x!tpu.dma_semaphore, #tpu.memory_space<semaphore_mem>> -> memref<!tpu.dma_semaphore, #tpu.memory_space<semaphore_mem>>
    %dma_wait3A_53 = arith.constant 32 : i32
    %dma_wait3A_54 = arith.constant 0 : i32
    %dma_wait3A_55 = arith.constant 0 : i32
    %dma_wait3A_56 = tpu.memref_slice %arg3[%select_n3A_17, %dma_wait3A_53, %dma_wait3A_54, %dma_wait3A_55] : memref<2x64x50x1000xf32, #tpu.memory_space<vmem>> -> memref<1x16x50x1000xf32, #tpu.memory_space<vmem>>
    %dma_wait3A_57 = tpu.memref_squeeze %dma_wait3A_56 : memref<1x16x50x1000xf32, #tpu.memory_space<vmem>> -> memref<16x50x1000xf32, #tpu.memory_space<vmem>>
    %dma_wait3A_58 = arith.constant 0 : i32
    %dma_wait3A_59 = arith.constant 0 : i32
    %dma_wait3A_60 = tpu.memref_slice %arg1[%add3A_49, %dma_wait3A_58, %dma_wait3A_59] : memref<1024x50x1000xf32, #tpu.memory_space<any>> -> memref<16x50x1000xf32, #tpu.memory_space<any>>
    tpu.wait_dma2 semaphore(%dma_wait3A_52 : memref<!tpu.dma_semaphore, #tpu.memory_space<semaphore_mem>>) src(%dma_wait3A_60 : memref<16x50x1000xf32, #tpu.memory_space<any>>) dst(%dma_wait3A_57 : memref<16x50x1000xf32, #tpu.memory_space<vmem>>)
    %mul3A_61 = arith.constant 64 : i32
    %mul3A_62 = arith.muli %arg0, %mul3A_61 : i32
    %add3A_63 = arith.constant 48 : i32
    %add3A_64 = arith.addi %mul3A_62, %add3A_63 : i32
    %dma_wait3A_65 = arith.constant 3 : i32
    %dma_wait3A_66 = tpu.memref_slice %arg4[%select_n3A_17, %dma_wait3A_65] : memref<2x4x!tpu.dma_semaphore, #tpu.memory_space<semaphore_mem>> -> memref<1x1x!tpu.dma_semaphore, #tpu.memory_space<semaphore_mem>>
    %dma_wait3A_67 = tpu.memref_squeeze %dma_wait3A_66 : memref<1x1x!tpu.dma_semaphore, #tpu.memory_space<semaphore_mem>> -> memref<!tpu.dma_semaphore, #tpu.memory_space<semaphore_mem>>
    %dma_wait3A_68 = arith.constant 48 : i32
    %dma_wait3A_69 = arith.constant 0 : i32
    %dma_wait3A_70 = arith.constant 0 : i32
    %dma_wait3A_71 = tpu.memref_slice %arg3[%select_n3A_17, %dma_wait3A_68, %dma_wait3A_69, %dma_wait3A_70] : memref<2x64x50x1000xf32, #tpu.memory_space<vmem>> -> memref<1x16x50x1000xf32, #tpu.memory_space<vmem>>
    %dma_wait3A_72 = tpu.memref_squeeze %dma_wait3A_71 : memref<1x16x50x1000xf32, #tpu.memory_space<vmem>> -> memref<16x50x1000xf32, #tpu.memory_space<vmem>>
    %dma_wait3A_73 = arith.constant 0 : i32
    %dma_wait3A_74 = arith.constant 0 : i32
    %dma_wait3A_75 = tpu.memref_slice %arg1[%add3A_64, %dma_wait3A_73, %dma_wait3A_74] : memref<1024x50x1000xf32, #tpu.memory_space<any>> -> memref<16x50x1000xf32, #tpu.memory_space<any>>
    tpu.wait_dma2 semaphore(%dma_wait3A_67 : memref<!tpu.dma_semaphore, #tpu.memory_space<semaphore_mem>>) src(%dma_wait3A_75 : memref<16x50x1000xf32, #tpu.memory_space<any>>) dst(%dma_wait3A_72 : memref<16x50x1000xf32, #tpu.memory_space<vmem>>)
    %jit3A_76 = arith.constant 2 : i32
    %eq3A_77 = arith.constant 0 : i32
    %eq3A_78 = arith.cmpi eq, %jit3A_76, %eq3A_77 : i32
    %jit3A_79 = arith.constant 1 : i32
    %select_n3A_80 = arith.select %eq3A_78, %jit3A_79, %jit3A_76 : i32
    %rem3A_81 = arith.remsi %arg0, %select_n3A_80 : i32
    %ne3A_82 = arith.constant 0 : i32
    %ne3A_83 = arith.cmpi ne, %rem3A_81, %ne3A_82 : i32
    %lt3A_84 = arith.constant 0 : i32
    %lt3A_85 = arith.cmpi slt, %rem3A_81, %lt3A_84 : i32
    %lt3A_86 = arith.constant 0 : i32
    %lt3A_87 = arith.cmpi slt, %select_n3A_80, %lt3A_86 : i32
    %ne3A_88 = arith.xori %lt3A_85, %lt3A_87 : i1
    %and3A_89 = arith.andi %ne3A_88, %ne3A_83 : i1
    %add3A_90 = arith.addi %rem3A_81, %select_n3A_80 : i32
    %select_n3A_91 = arith.select %and3A_89, %add3A_90, %rem3A_81 : i32
    %get3A = arith.index_cast %select_n3A_91 : i32 to index
    %get3A_92 = arith.constant 0 : index
    %get3A_93 = arith.constant 0 : index
    %get3A_94 = arith.constant 0 : index
    %get3A_95 = vector.load %arg3[%get3A, %get3A_92, %get3A_93, %get3A_94] : memref<2x64x50x1000xf32, #tpu.memory_space<vmem>>, vector<1x64x50x1000xf32>
    %get3A_96 = vector.shape_cast %get3A_95 : vector<1x64x50x1000xf32> to vector<64x50x1000xf32>
    %reduce_max3A = arith.constant dense<0xFF800000> : vector<64x50xf32>
    %reduce_max3A_97 = vector.multi_reduction <maximumf>, %get3A_96, %reduce_max3A [2] : vector<64x50x1000xf32> to vector<64x50xf32>
    %broadcast_in_dim3A = vector.shape_cast %reduce_max3A_97 : vector<64x50xf32> to vector<64x50x1xf32>
    %iota3A = tpu.iota {dimensions = array<i32: 2>} : vector<64x50x1000xi32>
    %eq3A_98 = vector.broadcast %broadcast_in_dim3A : vector<64x50x1xf32> to vector<64x50x1000xf32>
    %eq3A_99 = arith.cmpf oeq, %get3A_96, %eq3A_98 : vector<64x50x1000xf32>
    %jit3A_100 = arith.constant 1073741824 : i32
    %broadcast_in_dim3A_101 = vector.broadcast %jit3A_100 : i32 to vector<64x50x1000xi32>
    %select_n3A_102 = arith.select %eq3A_99, %iota3A, %broadcast_in_dim3A_101 : vector<64x50x1000xi1>, vector<64x50x1000xi32>
    %reduce_min3A = arith.constant dense<2147483647> : vector<64x50xi32>
    %reduce_min3A_103 = vector.multi_reduction <minsi>, %select_n3A_102, %reduce_min3A [2] : vector<64x50x1000xi32> to vector<64x50xi32>
    %swap3A = arith.constant 0 : index
    %swap3A_104 = arith.constant 0 : index
    %swap3A_105 = vector.load %arg2[%swap3A, %swap3A_104] : memref<64x50xi32, #tpu.memory_space<vmem>>, vector<64x50xi32>
    tpu.vector_store %arg2[%swap3A, %swap3A_104], %reduce_min3A_103 {strides = array<i32>} : memref<64x50xi32, #tpu.memory_space<vmem>>, vector<64x50xi32>,
    return
  }
  func.func @transform_1(%arg0: i32) -> (i32, i32) {
    %c0_i32 = arith.constant 0 : i32
    %c0_i32_0 = arith.constant 0 : i32
    return %arg0, %c0_i32 : i32, i32
  }
}

</mosaic_0001>

<sc_bundles>
// kernel: kernel.4.cloned.1.call-start
scs
__scs_entry_jumppad:
0x0: {  	(pc) =	sbr.rel $0x88, $3  }
0x1: {  	(tag) =	ssettag $0x0;
	lr =	simm.s32 $0x1  }
0x2: {  	[smem:$0x3F9F] =	sst lr;
	_ =	strace $0xD0000000  }
0x3: {  	_ = 	snop  }
0x4: {  	_ = 	snop  }
0x5: {  	_ = 	snop  }
0x6: {  	_ = 	snop  }
0x7: {  	_ = 	snop  }
__scs_overlays_trampoline_lowered:
0x8: {  	[smem:$0x3FAE] =	sst s0  }
0x9: {  	[smem:$0x3FAF] =	sst s1  }
0xa: {  	[smem:$0x3FB0] =	sst s2  }
0xb: {  	[smem:$0x3FB1] =	sst s3  }
0xc: {  	[smem:$0x3FB2] =	sst s4  }
0xd: {  	[smem:$0x3FB3] =	sst s5  }
0xe: {  	[smem:$0x3FB4] =	sst s6  }
0xf: {  	[smem:$0x3FB5] =	sst s7  }
0x10: {  	[smem:$0x3FB6] =	sst s8  }
0x11: {  	[smem:$0x3FB7] =	sst s9;
	s0 =	simm.s32 @!p0 $0x0  }
0x12: {  	s1 =	sld [smem:$0x3F9D];
	s0 =	simm.s32 @p0 $0x1  }
0x13: {  	[smem:$0x3FB8] =	sst s0;
	s0 =	simm.s32 @!p1 $0x0  }
0x14: {  	s2 =	sld [smem:$0x3F9C];
	s0 =	simm.s32 @p1 $0x1  }
0x15: {  	[smem:$0x3FB9] =	sst s0;
	s0 =	simm.s32 @!p2 $0x0  }
0x16: {  	s3 =	sld [smem:$0x3FDB];
	s0 =	simm.s32 @p2 $0x1  }
0x17: {  	s4 =	simm.s32 $0x1BF5;
	[smem:$0x3FBB] =	sst s0  }
0x18: {  	s0 =	sld [smem:$0x3F9E];
	_ =	swait.ge [sflag:s4], $0x0  }
0x19: {  	s7 =	sld [smem:$0x3F9F]  }
0x1a: {  	s8 =	sadd.s32 $0xFFFFE003, lr  }
0x1b: {  	s9 =	sadd.s32 $0xFFFFFEF7, lr;
	s5 =	simm.s32 $0xFFFFFFFF;
	p2 =	slt.u32 s8, $0xFFFFF086  }
0x1c: {  	p1 =	slt.u32 s9, $0xF7A;
	s5 =	simm.s32 @!p2 $0x0  }
0x1d: {  	s5 =	simm.s32 @p1 $0x1;
	p0 =	seq.s32 s7, s2  }
0x1e: {  	s7 =	smul.u32 @!p0 $0xF7A, s2;
	p2 =	seq.s32 @!p0 s5, $0x0  }
0x1f: {  	s9 =	smul.u32 $0xF7A, s1;
	s8 =	simm.s32 @!p0 $0x1BF5;
	p2 =	por !p2, p0  }
0x20: {  	[sflag:s8] =	ssyncset.s32 @!p0 $0xFFFFF086;
	s6 =	sadd.s32 @!p0 s3, s7;
	s7 =	simm.s32 @!p0 $0x108  }
0x21: {  	s3 =	sadd.s32 s3, s9;
	s6 =	sadd.s32 @!p0 $0x88, s6;
	s7 =	simm.s32 @p2 $0x1082  }
0x22: {  	[simem:s7], [sflag:s8] =	dma.local @!p0 [hbm:s6], $0xF7A  }
0x23: {  	s9 =	sor.u32 $0xD0000000, s2;
	s6 =	simm.s32 $0x108;
	_ =	swait.ge @!p0 [sflag:s8], $0x0  }
0x24: {  	s3 =	sadd.s32 $0x88, s3;
	s6 =	simm.s32 @!p1 $0x1082;
	[sflag:s4] =	ssyncset.s32 $0xFFFFF086  }
0x25: {  	[simem:s6], [sflag:s4] =	dma.local [hbm:s3], $0xF7A  }
0x26: {  	[smem:$0x3F9F] =	sst s1;
	(tag) =	ssettag s2;
	_ =	strace s9  }
0x27: {  	s1 =	sld [smem:$0x3FAF]  }
0x28: {  	s2 =	sld [smem:$0x3FB0]  }
0x29: {  	s4 =	sld [smem:$0x3FB2]  }
0x2a: {  	p0 =	seq.s32 s5, $0x0;
	s5 =	sld [smem:$0x3FB3]  }
0x2b: {  	s6 =	sld [smem:$0x3FB4]  }
0x2c: {  	s7 =	sld [smem:$0x3FB5]  }
0x2d: {  	s3 =	simm.s32 $0x108;
	s8 =	sld [smem:$0x3FB6]  }
0x2e: {  	s3 =	simm.s32 @!p0 $0x1082;
	s9 =	sld [smem:$0x3FB7]  }
0x2f: {  	lr =	sadd.s32 s0, s3;
	s0 =	sld [smem:$0x3FAE]  }
0x30: {  	s3 =	sld [smem:$0x3FB1]  }
0x31: {  	[smem:$0x3FBA] =	sst s10  }
0x32: {  	s10 =	sld [smem:$0x3FB8];
	_ =	sdelay $0x3  }
0x33: {  	p0 =	seq.s32 s10, $0x1;
	s10 =	sld [smem:$0x3FBA];
	_ =	sdelay $0x3  }
0x34: {  	[smem:$0x3FBA] =	sst s10  }
0x35: {  	s10 =	sld [smem:$0x3FB9];
	_ =	sdelay $0x3  }
0x36: {  	p1 =	seq.s32 s10, $0x1;
	s10 =	sld [smem:$0x3FBA];
	_ =	sdelay $0x3  }
0x37: {  	[smem:$0x3FBA] =	sst s10  }
0x38: {  	s10 =	sld [smem:$0x3FBB]  }
0x39: {  	_ = 	snop;
	(pc) =	sbr.ind lr, $3  }
0x3a: {  	_ = 	snop  }
0x3b: {  	_ = 	snop  }
0x3c: {  	p2 =	seq.s32 s10, $0x1;
	s10 =	sld [smem:$0x3FBA]  }
0x3d: {  	_ =	shalt  }
0x3e: {  	_ =	shalt  }
0x3f: {  	_ =	shalt  }
0x40: {  	_ =	shalt  }
0x41: {  	_ =	shalt  }
0x42: {  	_ =	shalt  }
0x43: {  	_ =	shalt  }
0x44: {  	_ =	shalt  }
0x45: {  	_ =	shalt  }
0x46: {  	_ =	shalt  }
0x47: {  	_ =	shalt  }
0x48: {  	_ =	shalt  }
0x49: {  	_ =	shalt  }
0x4a: {  	_ =	shalt  }
0x4b: {  	_ =	shalt  }
0x4c: {  	_ =	shalt  }
0x4d: {  	_ =	shalt  }
0x4e: {  	_ =	shalt  }
0x4f: {  	_ =	shalt  }
0x50: {  	_ =	shalt  }
0x51: {  	_ =	shalt  }
0x52: {  	_ =	shalt  }
0x53: {  	_ =	shalt  }
0x54: {  	_ =	shalt  }
0x55: {  	_ =	shalt  }
0x56: {  	_ =	shalt  }
0x57: {  	_ =	shalt  }
0x58: {  	_ =	shalt  }
0x59: {  	_ =	shalt  }
0x5a: {  	_ =	shalt  }
0x5b: {  	_ =	shalt  }
0x5c: {  	_ =	shalt  }
0x5d: {  	_ =	shalt  }
0x5e: {  	_ =	shalt  }
0x5f: {  	_ =	shalt  }
0x60: {  	_ =	shalt  }
0x61: {  	_ =	shalt  }
0x62: {  	_ =	shalt  }
0x63: {  	_ =	shalt  }
0x64: {  	_ =	shalt  }
0x65: {  	_ =	shalt  }
0x66: {  	_ =	shalt  }
0x67: {  	_ =	shalt  }
0x68: {  	_ =	shalt  }
0x69: {  	_ =	shalt  }
0x6a: {  	_ =	shalt  }
0x6b: {  	_ =	shalt  }
0x6c: {  	_ =	shalt  }
0x6d: {  	_ =	shalt  }
0x6e: {  	_ =	shalt  }
0x6f: {  	_ =	shalt  }
0x70: {  	_ =	shalt  }
0x71: {  	_ =	shalt  }
0x72: {  	_ =	shalt  }
0x73: {  	_ =	shalt  }
0x74: {  	_ =	shalt  }
0x75: {  	_ =	shalt  }
0x76: {  	_ =	shalt  }
0x77: {  	_ =	shalt  }
0x78: {  	_ =	shalt  }
0x79: {  	_ =	shalt  }
0x7a: {  	_ =	shalt  }
0x7b: {  	_ =	shalt  }
0x7c: {  	_ =	shalt  }
0x7d: {  	_ =	shalt  }
0x7e: {  	_ =	shalt  }
0x7f: {  	_ =	shalt  }
0x80: {  	_ =	shalt  }
0x81: {  	_ =	shalt  }
0x82: {  	_ =	shalt  }
0x83: {  	_ =	shalt  }
0x84: {  	_ =	shalt  }
0x85: {  	_ =	shalt  }
0x86: {  	_ =	shalt  }
0x87: {  	_ =	shalt  }
.Lfunc_end0:
.L_simem_size_0:
called_computation_lowered:
.L_overlay_start_0:
0x88: {  	s2 =	sld [smem:$0x3FD9]  }
0x89: {  	s3 =	sld [smem:$0x3FFE];
	_ =	sdelay $0x1  }
0x8a: {  	s1 =	srdreg.scid  }
0x8b: {  	s0 =	sand.u32 $0x1, s1  }
0x8c: {  	s17 =	sshll.u32 s0, $0xA;
	s2 =	sadd.s32 s3, s2  }
0x8d: {  	s2 =	sadd.s32 s2, s17  }
0x8e: {  	[smem:$0x3FC6] =	sst s2  }
0x8f: {  	_ = 	snop  }
0x90: {  	s2 =	sld [smem:$0x3FD0];
	(tm) =	ssettm $0x1  }
0x91: {  	s18 =	sld [smem:$0x3FFB];
	_ =	sdelay $0x3  }
0x92: {  	_ =	strace s18  }
0x93: {  	s3 =	sld [smem:$0x3FFC];
	_ =	sdelay $0x3  }
0x94: {  	_ =	strace s3  }
0x95: {  	s3 =	sld [smem:$0x3FFD];
	_ =	sdelay $0x3  }
0x96: {  	_ =	strace s3  }
0x97: {  	_ =	strace $0x8FFFFFFF  }
0x98: {  	s19 =	sld [smem:$0x3FDB];
	_ =	sdelay $0x1  }
0x99: {  	s4 =	simm.s32 $_scs_section_size  }
0x9a: {  	s5 =	simm.s32 $_size__tile_overlayer_lowered;
	s6 =	simm.s32 $_tile_overlayer_lowered  }
0x9b: {  	s22 =	simm.s32 $0x1BFF;
	s21 =	sshll.u32 s6, $0x1;
	s3 =	sadd.s32 s4, s19  }
0x9c: {  	s7 =	simm.s32 $0x0;
	s20 =	sshll.u32 s5, $0x1;
	s5 =	sadd.s32 s21, s3  }
0x9d: {  	[timem:s7], [sflag:s22] =	dma.local [hbm:s5], s20  }
0x9e: {  	_ =	swait.ge [sflag:s22], s20  }
0x9f: {  	s4 =	ssub.s32 $0x0, s20;
	[sflag:s22] =	ssyncset.done $0x0  }
0xa0: {  	[sflag:s22] =	ssyncadd.s32 s4;
	_ =	sdelay $0x1  }
0xa1: {  	s23 =	simm.s32 $0x1B8B  }
0xa2: {  	_ =	swait.ge [sflag:s23], $0x1  }
0xa3: {  	[sflag:s23] =	ssyncset.done $0x0  }
0xa4: {  	s25 =	simm.s32 $0x1B8E;
	s24 =	sld [smem:$0x3FFE];
	[sflag:s23] =	ssyncadd.s32 $0xFFFFFFFF  }
0xa5: {  	s26 =	simm.s32 $execute0_lowered;
	[smem:$0x3FD2] =	sst s25  }
0xa6: {  	s5 =	sshll.u32 s26, $0x1;
	_ =	strace $0x80000046;
	[dreg:$0x1] =	wrdreg $0xFFFFFFFF  }
0xa7: {  	s28 =	simm.s32 $_size_execute0_lowered;
	s3 =	sadd.s32 s3, s5;
	[dreg:$0x0] =	wrdreg $0x0  }
0xa8: {  	s5 =	sshll.u32 s28, $0x1;
	[dreg:$0x2] =	wrdreg s3  }
0xa9: {  	[dreg:$0x3] =	wrdreg s5  }
0xaa: {  	[dreg:$0x4] =	wrdreg $0xC0  }
0xab: {  	_ =	task [dreg:s7], $0x5FFFF  }
0xac: {  	[dreg:$0x1] =	wrdreg $0xFFFFFFFF  }
0xad: {  	[dreg:$0x0] =	wrdreg $0x60  }
0xae: {  	[dreg:$0x2] =	wrdreg s24  }
0xaf: {  	[dreg:$0x3] =	wrdreg s2  }
0xb0: {  	[dreg:$0x4] =	wrdreg $0x9  }
0xb1: {  	_ =	task.clear_ibuf [dreg:s7], $0x5FFFF;
	_ =	strace $0x90000046  }
0xb2: {  	s29 =	simm.s32 $0x9;
	_ =	strace $0x80000048  }
0xb3: {  	_ =	swait.ge [sflag:s29], $0x1  }
0xb4: {  	[sflag:s29] =	ssyncadd.s32 $0xFFFFFFFF  }
0xb5: {  	_ =	strace $0x90000048  }
0xb6: {  	_ =	sfence  }
0xb7: {  	s30 =	sld [smem:$0x0];
	_ =	sdelay $0x2  }
0xb8: {  	s31 =	sshll.u32 s1, $0xD;
	s1 =	sshrl.u32 s1, $0x2  }
0xb9: {  	s3 =	sand.u32 $0x4000, s31;
	s1 =	sadd.s32 s1, s30  }
0xba: {  	s0 =	sor.u32 s3, s0;
	s1 =	sshll.u32 s1, $0x11  }
0xbb: {  	s0 =	sor.u32 s1, s0  }
0xbc: {  	s0 =	sadd.s32 $0x8F2B, s0  }
0xbd: {  	[sflag:s0] =	ssyncadd.remote.s32 $0x1  }
0xbe: {  	_ =	sfence.sel $0xFFFF  }
0xbf: {  	[dreg:$0x0] =	wrdreg $0xFFFFFFFF;
	(pc) =	sbr.abs _section_cstart, $3  }
0xc0: {  	[dreg:$0x1] =	wrdreg $0xFFFFFFFF  }
0xc1: {  	_ =	task.clear_ibuf [dreg:s7], $0x2FFFF;
	_ =	strace $0x9FFFFFFF  }
0xc2: {  	(tm) =	ssettm $0x7FFFFFFF  }
0xc3: {  	_ =	shalt  }
tec
execute0_lowered:
.L_overlay_start_1:
0x0: {  	(tag) =	ssettag $0x1  }
0x1: {  	s4 =	rddreg [dreg:$0x0];
	s1 =	srdreg.scid  }
0x2: {  	s0 =	stileid.u32;
	s2 =	rddreg [dreg:$0x1]  }
0x3: {  	s3 =	simm.s32 $0x0;
	s9 =	simm.s32 $0x2;
	s10 =	simm.s32 $0x1  }
0x4: {  	s11 =	simm.s32 $0x10040;
	s12 =	simm.s32 $0x10840;
	s13 =	simm.s32 $0x3  }
0x5: {  	s14 =	simm.s32 $0x4;
	s5 =	sand.u32 $0x1, s1;
	s6 =	sshll.u32 s0, $0x1  }
0x6: {  	s15 =	simm.s32 $0x0;
	s1 =	rddreg [dreg:$0x2];
	s6 =	sor.u32 s5, s6  }
0x7: {  	[smem:$0x7FF] =	sst s3;
	s5 =	ssub.s32 $0x2, s5;
	s7 =	smul.u32 $0xC8, s6  }
0x8: {  	_ =	strace $0x80000047;
	s8 =	sshrl.u32 s5, $0x1;
	s6 =	smul.u32 $0x19000, s6  }
0x9: {  	s8 =	ssub.s32 s5, s8;
	s7 =	sadd.s32 s7, s4;
	s4 =	sadd.s32 $0x2000, s4  }
0xa: {  	s5 =	sadd.s32 $0x600, s7;
	s7 =	smax.u32 s8, $0x1;
	s8 =	simm.s32 $0x640  }
.LBB2_1:
0xb: {  	[tilespmem:s8], [sflag:$0x2] =	stream.linear.gather [hbm4b:s4+s3], $0xFA00, $0x38;
	[tilespmem:$0x11040] =	vst v63  }
0xc: {  	_ = 	snop  }
0xd: {  	[tilespmem:s3], [sflag:$0x1] =	stream.linear.gather [hbm4b:s5+s3], $0x640, $0x38;
	[tilespmem:$0x11040] =	vst v63  }
0xe: {  	_ =	swait.ge [sflag:s9], $0xFA00  }
0xf: {  	[sflag:s9] =	ssyncset.done $0x0  }
0x10: {  	[sflag:s9] =	ssyncadd.s32 $0xFFFF0600  }
0x11: {  	_ =	swait.ge [sflag:s10], $0x640  }
0x12: {  	[sflag:s10] =	ssyncset.done $0x0  }
0x13: {  	s16 =	simm.s32 $0x0;
	[sflag:s10] =	ssyncadd.s32 $0xFFFFF9C0  }
.LBB2_2:
0x14: {  	p0 =	seq.s32 s16, $0x0;
	s19 =	sshll.u32 s16, $0x6  }
0x15: {  	s18 =	simm.s32 @!p0 $0x3;
	s19 =	sand.u32 $0x3FFFFFC0, s19  }
0x16: {  	_ =	swait.ge @!p0 [sflag:s18], $0x800;
	v0 =	vmov s19  }
0x17: {  	s17 =	sshll.u32 s16, $0x1;
	[sflag:s18] =	ssyncset.done @!p0 $0x0  }
0x18: {  	p1 =	por $0x1, $0x1;
	[sflag:s18] =	ssyncadd.s32 @!p0 $0xFFFFF800;
	s18 =	simm.s32 $0x0  }
.LBB2_3:
0x19: {  	s19 =	sshll.u32 s18, $0x4  }
0x1a: {  	s19 =	sand.u32 $0x3FFFFFF0, s19  }
0x1b: {  	v1 =	vld.idx.msk [tilespmem:v0+s19+$0x0 ss:$0x1], $0xffff;
	_ =	sdelay $0x4  }
0x1c: {  	v1 =	vshll.u32 v1, $0x6  }
0x1d: {  	(v2sf) =	vpush v1, $0x0;
	_ =	sdelay $0xe  }
0x1e: {  	s25 =	spop (v2sf)  }
0x1f: {  	v2 =	vld [tilespmem:s25+$0x640];
	_ =	sdelay $0x2  }
0x20: {  	s26 =	sshll.u32 s18, $0xA  }
0x21: {  	s18 =	sand.u32 $0x3FFFFC00, s26  }
0x22: {  	[tilespmem:s18+$0x10040] =	vst v2  }
0x23: {  	v2 =	vld [tilespmem:s25+$0x650];
	_ =	sdelay $0x1  }
0x24: {  	(v2sf) =	vpush v1, $0x1;
	_ =	sdelay $0x2  }
0x25: {  	[tilespmem:s18+$0x10050] =	vst v2  }
0x26: {  	v2 =	vld [tilespmem:s25+$0x660];
	_ =	sdelay $0x4  }
0x27: {  	[tilespmem:s18+$0x10060] =	vst v2  }
0x28: {  	v2 =	vld [tilespmem:s25+$0x670];
	_ =	sdelay $0x4  }
0x29: {  	s28 =	spop (v2sf);
	[tilespmem:s18+$0x10070] =	vst v2  }
0x2a: {  	v2 =	vld [tilespmem:s28+$0x640];
	_ =	sdelay $0x4  }
0x2b: {  	[tilespmem:s18+$0x10080] =	vst v2  }
0x2c: {  	v2 =	vld [tilespmem:s28+$0x650];
	_ =	sdelay $0x1  }
0x2d: {  	(v2sf) =	vpush v1, $0x2;
	_ =	sdelay $0x2  }
0x2e: {  	[tilespmem:s18+$0x10090] =	vst v2  }
0x2f: {  	v2 =	vld [tilespmem:s28+$0x660];
	_ =	sdelay $0x4  }
0x30: {  	[tilespmem:s18+$0x100A0] =	vst v2  }
0x31: {  	v2 =	vld [tilespmem:s28+$0x670];
	_ =	sdelay $0x4  }
0x32: {  	s29 =	spop (v2sf);
	[tilespmem:s18+$0x100B0] =	vst v2  }
0x33: {  	v2 =	vld [tilespmem:s29+$0x640];
	_ =	sdelay $0x4  }
0x34: {  	[tilespmem:s18+$0x100C0] =	vst v2  }
0x35: {  	v2 =	vld [tilespmem:s29+$0x650];
	_ =	sdelay $0x1  }
0x36: {  	(v2sf) =	vpush v1, $0x3;
	_ =	sdelay $0x2  }
0x37: {  	[tilespmem:s18+$0x100D0] =	vst v2  }
0x38: {  	v2 =	vld [tilespmem:s29+$0x660];
	_ =	sdelay $0x4  }
0x39: {  	[tilespmem:s18+$0x100E0] =	vst v2  }
0x3a: {  	v2 =	vld [tilespmem:s29+$0x670];
	_ =	sdelay $0x4  }
0x3b: {  	s30 =	spop (v2sf);
	[tilespmem:s18+$0x100F0] =	vst v2  }
0x3c: {  	v2 =	vld [tilespmem:s30+$0x640];
	_ =	sdelay $0x4  }
0x3d: {  	[tilespmem:s18+$0x10100] =	vst v2  }
0x3e: {  	v2 =	vld [tilespmem:s30+$0x650];
	_ =	sdelay $0x1  }
0x3f: {  	(v2sf) =	vpush v1, $0x4;
	_ =	sdelay $0x2  }
0x40: {  	[tilespmem:s18+$0x10110] =	vst v2  }
0x41: {  	v2 =	vld [tilespmem:s30+$0x660];
	_ =	sdelay $0x4  }
0x42: {  	[tilespmem:s18+$0x10120] =	vst v2  }
0x43: {  	v2 =	vld [tilespmem:s30+$0x670];
	_ =	sdelay $0x4  }
0x44: {  	s31 =	spop (v2sf);
	[tilespmem:s18+$0x10130] =	vst v2  }
0x45: {  	v2 =	vld [tilespmem:s31+$0x640];
	_ =	sdelay $0x4  }
0x46: {  	[tilespmem:s18+$0x10140] =	vst v2  }
0x47: {  	v2 =	vld [tilespmem:s31+$0x650];
	_ =	sdelay $0x1  }
0x48: {  	(v2sf) =	vpush v1, $0x5;
	_ =	sdelay $0x2  }
0x49: {  	[tilespmem:s18+$0x10150] =	vst v2  }
0x4a: {  	v2 =	vld [tilespmem:s31+$0x660];
	_ =	sdelay $0x4  }
0x4b: {  	[tilespmem:s18+$0x10160] =	vst v2  }
0x4c: {  	v2 =	vld [tilespmem:s31+$0x670];
	_ =	sdelay $0x4  }
0x4d: {  	s20 =	spop (v2sf);
	[tilespmem:s18+$0x10170] =	vst v2  }
0x4e: {  	v2 =	vld [tilespmem:s20+$0x640];
	_ =	sdelay $0x4  }
0x4f: {  	[tilespmem:s18+$0x10180] =	vst v2  }
0x50: {  	v2 =	vld [tilespmem:s20+$0x650];
	_ =	sdelay $0x1  }
0x51: {  	(v2sf) =	vpush v1, $0x6;
	_ =	sdelay $0x2  }
0x52: {  	[tilespmem:s18+$0x10190] =	vst v2  }
0x53: {  	v2 =	vld [tilespmem:s20+$0x660];
	_ =	sdelay $0x4  }
0x54: {  	[tilespmem:s18+$0x101A0] =	vst v2  }
0x55: {  	v2 =	vld [tilespmem:s20+$0x670];
	_ =	sdelay $0x4  }
0x56: {  	s21 =	spop (v2sf);
	[tilespmem:s18+$0x101B0] =	vst v2  }
0x57: {  	v2 =	vld [tilespmem:s21+$0x640];
	_ =	sdelay $0x4  }
0x58: {  	[tilespmem:s18+$0x101C0] =	vst v2  }
0x59: {  	v2 =	vld [tilespmem:s21+$0x650];
	_ =	sdelay $0x1  }
0x5a: {  	(v2sf) =	vpush v1, $0x7;
	_ =	sdelay $0x2  }
0x5b: {  	[tilespmem:s18+$0x101D0] =	vst v2  }
0x5c: {  	v2 =	vld [tilespmem:s21+$0x660];
	_ =	sdelay $0x4  }
0x5d: {  	[tilespmem:s18+$0x101E0] =	vst v2  }
0x5e: {  	v2 =	vld [tilespmem:s21+$0x670];
	_ =	sdelay $0x4  }
0x5f: {  	s22 =	spop (v2sf);
	[tilespmem:s18+$0x101F0] =	vst v2  }
0x60: {  	v2 =	vld [tilespmem:s22+$0x640];
	_ =	sdelay $0x4  }
0x61: {  	[tilespmem:s18+$0x10200] =	vst v2  }
0x62: {  	v2 =	vld [tilespmem:s22+$0x650];
	_ =	sdelay $0x1  }
0x63: {  	(v2sf) =	vpush v1, $0x8;
	_ =	sdelay $0x2  }
0x64: {  	[tilespmem:s18+$0x10210] =	vst v2  }
0x65: {  	v2 =	vld [tilespmem:s22+$0x660];
	_ =	sdelay $0x4  }
0x66: {  	[tilespmem:s18+$0x10220] =	vst v2  }
0x67: {  	v2 =	vld [tilespmem:s22+$0x670];
	_ =	sdelay $0x4  }
0x68: {  	s23 =	spop (v2sf);
	[tilespmem:s18+$0x10230] =	vst v2  }
0x69: {  	v2 =	vld [tilespmem:s23+$0x640];
	_ =	sdelay $0x4  }
0x6a: {  	[tilespmem:s18+$0x10240] =	vst v2  }
0x6b: {  	v2 =	vld [tilespmem:s23+$0x650];
	_ =	sdelay $0x1  }
0x6c: {  	(v2sf) =	vpush v1, $0x9;
	_ =	sdelay $0x2  }
0x6d: {  	[tilespmem:s18+$0x10250] =	vst v2  }
0x6e: {  	v2 =	vld [tilespmem:s23+$0x660];
	_ =	sdelay $0x4  }
0x6f: {  	[tilespmem:s18+$0x10260] =	vst v2  }
0x70: {  	v2 =	vld [tilespmem:s23+$0x670];
	_ =	sdelay $0x4  }
0x71: {  	s24 =	spop (v2sf);
	[tilespmem:s18+$0x10270] =	vst v2  }
0x72: {  	v2 =	vld [tilespmem:s24+$0x640];
	_ =	sdelay $0x4  }
0x73: {  	[tilespmem:s18+$0x10280] =	vst v2  }
0x74: {  	v2 =	vld [tilespmem:s24+$0x650];
	_ =	sdelay $0x1  }
0x75: {  	(v2sf) =	vpush v1, $0xA;
	_ =	sdelay $0x2  }
0x76: {  	[tilespmem:s18+$0x10290] =	vst v2  }
0x77: {  	v2 =	vld [tilespmem:s24+$0x660];
	_ =	sdelay $0x4  }
0x78: {  	[tilespmem:s18+$0x102A0] =	vst v2  }
0x79: {  	v2 =	vld [tilespmem:s24+$0x670];
	_ =	sdelay $0x4  }
0x7a: {  	s25 =	spop (v2sf);
	[tilespmem:s18+$0x102B0] =	vst v2  }
0x7b: {  	v2 =	vld [tilespmem:s25+$0x640];
	_ =	sdelay $0x4  }
0x7c: {  	[tilespmem:s18+$0x102C0] =	vst v2  }
0x7d: {  	v2 =	vld [tilespmem:s25+$0x650];
	_ =	sdelay $0x1  }
0x7e: {  	(v2sf) =	vpush v1, $0xB;
	_ =	sdelay $0x2  }
0x7f: {  	[tilespmem:s18+$0x102D0] =	vst v2  }
0x80: {  	v2 =	vld [tilespmem:s25+$0x660];
	_ =	sdelay $0x4  }
0x81: {  	[tilespmem:s18+$0x102E0] =	vst v2  }
0x82: {  	v2 =	vld [tilespmem:s25+$0x670];
	_ =	sdelay $0x4  }
0x83: {  	s26 =	spop (v2sf);
	[tilespmem:s18+$0x102F0] =	vst v2  }
0x84: {  	v2 =	vld [tilespmem:s26+$0x640];
	_ =	sdelay $0x4  }
0x85: {  	[tilespmem:s18+$0x10300] =	vst v2  }
0x86: {  	v2 =	vld [tilespmem:s26+$0x650];
	_ =	sdelay $0x1  }
0x87: {  	(v2sf) =	vpush v1, $0xC;
	_ =	sdelay $0x2  }
0x88: {  	[tilespmem:s18+$0x10310] =	vst v2  }
0x89: {  	v2 =	vld [tilespmem:s26+$0x660];
	_ =	sdelay $0x4  }
0x8a: {  	[tilespmem:s18+$0x10320] =	vst v2  }
0x8b: {  	v2 =	vld [tilespmem:s26+$0x670];
	_ =	sdelay $0x4  }
0x8c: {  	s28 =	spop (v2sf);
	[tilespmem:s18+$0x10330] =	vst v2  }
0x8d: {  	v2 =	vld [tilespmem:s28+$0x640];
	_ =	sdelay $0x4  }
0x8e: {  	[tilespmem:s18+$0x10340] =	vst v2  }
0x8f: {  	v2 =	vld [tilespmem:s28+$0x650];
	_ =	sdelay $0x1  }
0x90: {  	(v2sf) =	vpush v1, $0xD;
	_ =	sdelay $0x2  }
0x91: {  	[tilespmem:s18+$0x10350] =	vst v2  }
0x92: {  	v2 =	vld [tilespmem:s28+$0x660];
	_ =	sdelay $0x4  }
0x93: {  	[tilespmem:s18+$0x10360] =	vst v2  }
0x94: {  	v2 =	vld [tilespmem:s28+$0x670];
	_ =	sdelay $0x4  }
0x95: {  	s29 =	spop (v2sf);
	[tilespmem:s18+$0x10370] =	vst v2  }
0x96: {  	v2 =	vld [tilespmem:s29+$0x640];
	_ =	sdelay $0x4  }
0x97: {  	[tilespmem:s18+$0x10380] =	vst v2  }
0x98: {  	v2 =	vld [tilespmem:s29+$0x650];
	_ =	sdelay $0x1  }
0x99: {  	(v2sf) =	vpush v1, $0xE;
	_ =	sdelay $0x2  }
0x9a: {  	[tilespmem:s18+$0x10390] =	vst v2  }
0x9b: {  	v2 =	vld [tilespmem:s29+$0x660];
	_ =	sdelay $0x4  }
0x9c: {  	[tilespmem:s18+$0x103A0] =	vst v2  }
0x9d: {  	v2 =	vld [tilespmem:s29+$0x670];
	_ =	sdelay $0x4  }
0x9e: {  	s30 =	spop (v2sf);
	[tilespmem:s18+$0x103B0] =	vst v2  }
0x9f: {  	v2 =	vld [tilespmem:s30+$0x640];
	_ =	sdelay $0x4  }
0xa0: {  	[tilespmem:s18+$0x103C0] =	vst v2  }
0xa1: {  	v2 =	vld [tilespmem:s30+$0x650];
	_ =	sdelay $0x1  }
0xa2: {  	(v2sf) =	vpush v1, $0xF;
	_ =	sdelay $0x2  }
0xa3: {  	[tilespmem:s18+$0x103D0] =	vst v2  }
0xa4: {  	v1 =	vld [tilespmem:s30+$0x660];
	_ =	sdelay $0x4  }
0xa5: {  	[tilespmem:s18+$0x103E0] =	vst v1  }
0xa6: {  	v1 =	vld [tilespmem:s30+$0x670];
	_ =	sdelay $0x4  }
0xa7: {  	s31 =	spop (v2sf);
	[tilespmem:s18+$0x103F0] =	vst v1  }
0xa8: {  	v1 =	vld [tilespmem:s31+$0x640];
	_ =	sdelay $0x4  }
0xa9: {  	[tilespmem:s18+$0x10400] =	vst v1  }
0xaa: {  	v1 =	vld [tilespmem:s31+$0x650];
	_ =	sdelay $0x4  }
0xab: {  	[tilespmem:s18+$0x10410] =	vst v1  }
0xac: {  	v1 =	vld [tilespmem:s31+$0x660];
	_ =	sdelay $0x4  }
0xad: {  	[tilespmem:s18+$0x10420] =	vst v1  }
0xae: {  	p2 =	por p1, p1;
	v1 =	vld [tilespmem:s31+$0x670]  }
.Ltmp0:
0xaf: {  	_ = 	snop;
	(pc) =	sbr.rel @p2 .LBB2_3-.Ltmp0, $2  }
0xb0: {  	_ =	sdelay $0x2  }
0xb1: {  	p1 =	por $0x0, $0x0;
	[tilespmem:s18+$0x10430] =	vst v1;
	s18 =	simm.s32 $0x1  }
0xb2: {  	s18 =	sshll.u32 s16, $0xC  }
0xb3: {  	s18 =	sadd.s32 s6, s18  }
0xb4: {  	s17 =	sor.u32 $0x1, s17;
	s18 =	sshrl.u32 s18, $0x3  }
0xb5: {  	s19 =	sshll.u32 s17, $0x5;
	s18 =	sadd.s32 s2, s18  }
0xb6: {  	[hbm4b:s18+s3] =	stream.linear.scatter [tilespmem:s11], [sflag:$0x3], $0x800, $0x38;
	[tilespmem:$0x11040] =	vst v63  }
0xb7: {  	s19 =	sand.u32 $0x3FFFFFE0, s19;
	s18 =	simm.s32 @!p0 $0x4  }
0xb8: {  	v0 =	vmov s19;
	_ =	swait.ge @!p0 [sflag:s18], $0x800  }
0xb9: {  	[sflag:s18] =	ssyncset.done @!p0 $0x0  }
0xba: {  	[sflag:s18] =	ssyncadd.s32 @!p0 $0xFFFFF800;
	s18 =	simm.s32 $0x0;
	p0 =	por $0x1, $0x1  }
.LBB2_5:
0xbb: {  	s19 =	sshll.u32 s18, $0x4  }
0xbc: {  	s19 =	sand.u32 $0x3FFFFFF0, s19  }
0xbd: {  	v1 =	vld.idx.msk [tilespmem:v0+s19+$0x0 ss:$0x1], $0xffff;
	_ =	sdelay $0x4  }
0xbe: {  	v1 =	vshll.u32 v1, $0x6  }
0xbf: {  	(v2sf) =	vpush v1, $0x0;
	_ =	sdelay $0xe  }
0xc0: {  	s25 =	spop (v2sf)  }
0xc1: {  	v2 =	vld [tilespmem:s25+$0x640];
	_ =	sdelay $0x2  }
0xc2: {  	s26 =	sshll.u32 s18, $0xA  }
0xc3: {  	s18 =	sand.u32 $0x3FFFFC00, s26  }
0xc4: {  	[tilespmem:s18+$0x10840] =	vst v2  }
0xc5: {  	v2 =	vld [tilespmem:s25+$0x650];
	_ =	sdelay $0x1  }
0xc6: {  	(v2sf) =	vpush v1, $0x1;
	_ =	sdelay $0x2  }
0xc7: {  	[tilespmem:s18+$0x10850] =	vst v2  }
0xc8: {  	v2 =	vld [tilespmem:s25+$0x660];
	_ =	sdelay $0x4  }
0xc9: {  	[tilespmem:s18+$0x10860] =	vst v2  }
0xca: {  	v2 =	vld [tilespmem:s25+$0x670];
	_ =	sdelay $0x4  }
0xcb: {  	s28 =	spop (v2sf);
	[tilespmem:s18+$0x10870] =	vst v2  }
0xcc: {  	v2 =	vld [tilespmem:s28+$0x640];
	_ =	sdelay $0x4  }
0xcd: {  	[tilespmem:s18+$0x10880] =	vst v2  }
0xce: {  	v2 =	vld [tilespmem:s28+$0x650];
	_ =	sdelay $0x1  }
0xcf: {  	(v2sf) =	vpush v1, $0x2;
	_ =	sdelay $0x2  }
0xd0: {  	[tilespmem:s18+$0x10890] =	vst v2  }
0xd1: {  	v2 =	vld [tilespmem:s28+$0x660];
	_ =	sdelay $0x4  }
0xd2: {  	[tilespmem:s18+$0x108A0] =	vst v2  }
0xd3: {  	v2 =	vld [tilespmem:s28+$0x670];
	_ =	sdelay $0x4  }
0xd4: {  	s29 =	spop (v2sf);
	[tilespmem:s18+$0x108B0] =	vst v2  }
0xd5: {  	v2 =	vld [tilespmem:s29+$0x640];
	_ =	sdelay $0x4  }
0xd6: {  	[tilespmem:s18+$0x108C0] =	vst v2  }
0xd7: {  	v2 =	vld [tilespmem:s29+$0x650];
	_ =	sdelay $0x1  }
0xd8: {  	(v2sf) =	vpush v1, $0x3;
	_ =	sdelay $0x2  }
0xd9: {  	[tilespmem:s18+$0x108D0] =	vst v2  }
0xda: {  	v2 =	vld [tilespmem:s29+$0x660];
	_ =	sdelay $0x4  }
0xdb: {  	[tilespmem:s18+$0x108E0] =	vst v2  }
0xdc: {  	v2 =	vld [tilespmem:s29+$0x670];
	_ =	sdelay $0x4  }
0xdd: {  	s30 =	spop (v2sf);
	[tilespmem:s18+$0x108F0] =	vst v2  }
0xde: {  	v2 =	vld [tilespmem:s30+$0x640];
	_ =	sdelay $0x4  }
0xdf: {  	[tilespmem:s18+$0x10900] =	vst v2  }
0xe0: {  	v2 =	vld [tilespmem:s30+$0x650];
	_ =	sdelay $0x1  }
0xe1: {  	(v2sf) =	vpush v1, $0x4;
	_ =	sdelay $0x2  }
0xe2: {  	[tilespmem:s18+$0x10910] =	vst v2  }
0xe3: {  	v2 =	vld [tilespmem:s30+$0x660];
	_ =	sdelay $0x4  }
0xe4: {  	[tilespmem:s18+$0x10920] =	vst v2  }
0xe5: {  	v2 =	vld [tilespmem:s30+$0x670];
	_ =	sdelay $0x4  }
0xe6: {  	s31 =	spop (v2sf);
	[tilespmem:s18+$0x10930] =	vst v2  }
0xe7: {  	v2 =	vld [tilespmem:s31+$0x640];
	_ =	sdelay $0x4  }
0xe8: {  	[tilespmem:s18+$0x10940] =	vst v2  }
0xe9: {  	v2 =	vld [tilespmem:s31+$0x650];
	_ =	sdelay $0x1  }
0xea: {  	(v2sf) =	vpush v1, $0x5;
	_ =	sdelay $0x2  }
0xeb: {  	[tilespmem:s18+$0x10950] =	vst v2  }
0xec: {  	v2 =	vld [tilespmem:s31+$0x660];
	_ =	sdelay $0x4  }
0xed: {  	[tilespmem:s18+$0x10960] =	vst v2  }
0xee: {  	v2 =	vld [tilespmem:s31+$0x670];
	_ =	sdelay $0x4  }
0xef: {  	s20 =	spop (v2sf);
	[tilespmem:s18+$0x10970] =	vst v2  }
0xf0: {  	v2 =	vld [tilespmem:s20+$0x640];
	_ =	sdelay $0x4  }
0xf1: {  	[tilespmem:s18+$0x10980] =	vst v2  }
0xf2: {  	v2 =	vld [tilespmem:s20+$0x650];
	_ =	sdelay $0x1  }
0xf3: {  	(v2sf) =	vpush v1, $0x6;
	_ =	sdelay $0x2  }
0xf4: {  	[tilespmem:s18+$0x10990] =	vst v2  }
0xf5: {  	v2 =	vld [tilespmem:s20+$0x660];
	_ =	sdelay $0x4  }
0xf6: {  	[tilespmem:s18+$0x109A0] =	vst v2  }
0xf7: {  	v2 =	vld [tilespmem:s20+$0x670];
	_ =	sdelay $0x4  }
0xf8: {  	s21 =	spop (v2sf);
	[tilespmem:s18+$0x109B0] =	vst v2  }
0xf9: {  	v2 =	vld [tilespmem:s21+$0x640];
	_ =	sdelay $0x4  }
0xfa: {  	[tilespmem:s18+$0x109C0] =	vst v2  }
0xfb: {  	v2 =	vld [tilespmem:s21+$0x650];
	_ =	sdelay $0x1  }
0xfc: {  	(v2sf) =	vpush v1, $0x7;
	_ =	sdelay $0x2  }
0xfd: {  	[tilespmem:s18+$0x109D0] =	vst v2  }
0xfe: {  	v2 =	vld [tilespmem:s21+$0x660];
	_ =	sdelay $0x4  }
0xff: {  	[tilespmem:s18+$0x109E0] =	vst v2  }
0x100: {  	v2 =	vld [tilespmem:s21+$0x670];
	_ =	sdelay $0x4  }
0x101: {  	s22 =	spop (v2sf);
	[tilespmem:s18+$0x109F0] =	vst v2  }
0x102: {  	v2 =	vld [tilespmem:s22+$0x640];
	_ =	sdelay $0x4  }
0x103: {  	[tilespmem:s18+$0x10A00] =	vst v2  }
0x104: {  	v2 =	vld [tilespmem:s22+$0x650];
	_ =	sdelay $0x1  }
0x105: {  	(v2sf) =	vpush v1, $0x8;
	_ =	sdelay $0x2  }
0x106: {  	[tilespmem:s18+$0x10A10] =	vst v2  }
0x107: {  	v2 =	vld [tilespmem:s22+$0x660];
	_ =	sdelay $0x4  }
0x108: {  	[tilespmem:s18+$0x10A20] =	vst v2  }
0x109: {  	v2 =	vld [tilespmem:s22+$0x670];
	_ =	sdelay $0x4  }
0x10a: {  	s23 =	spop (v2sf);
	[tilespmem:s18+$0x10A30] =	vst v2  }
0x10b: {  	v2 =	vld [tilespmem:s23+$0x640];
	_ =	sdelay $0x4  }
0x10c: {  	[tilespmem:s18+$0x10A40] =	vst v2  }
0x10d: {  	v2 =	vld [tilespmem:s23+$0x650];
	_ =	sdelay $0x1  }
0x10e: {  	(v2sf) =	vpush v1, $0x9;
	_ =	sdelay $0x2  }
0x10f: {  	[tilespmem:s18+$0x10A50] =	vst v2  }
0x110: {  	v2 =	vld [tilespmem:s23+$0x660];
	_ =	sdelay $0x4  }
0x111: {  	[tilespmem:s18+$0x10A60] =	vst v2  }
0x112: {  	v2 =	vld [tilespmem:s23+$0x670];
	_ =	sdelay $0x4  }
0x113: {  	s24 =	spop (v2sf);
	[tilespmem:s18+$0x10A70] =	vst v2  }
0x114: {  	v2 =	vld [tilespmem:s24+$0x640];
	_ =	sdelay $0x4  }
0x115: {  	[tilespmem:s18+$0x10A80] =	vst v2  }
0x116: {  	v2 =	vld [tilespmem:s24+$0x650];
	_ =	sdelay $0x1  }
0x117: {  	(v2sf) =	vpush v1, $0xA;
	_ =	sdelay $0x2  }
0x118: {  	[tilespmem:s18+$0x10A90] =	vst v2  }
0x119: {  	v2 =	vld [tilespmem:s24+$0x660];
	_ =	sdelay $0x4  }
0x11a: {  	[tilespmem:s18+$0x10AA0] =	vst v2  }
0x11b: {  	v2 =	vld [tilespmem:s24+$0x670];
	_ =	sdelay $0x4  }
0x11c: {  	s25 =	spop (v2sf);
	[tilespmem:s18+$0x10AB0] =	vst v2  }
0x11d: {  	v2 =	vld [tilespmem:s25+$0x640];
	_ =	sdelay $0x4  }
0x11e: {  	[tilespmem:s18+$0x10AC0] =	vst v2  }
0x11f: {  	v2 =	vld [tilespmem:s25+$0x650];
	_ =	sdelay $0x1  }
0x120: {  	(v2sf) =	vpush v1, $0xB;
	_ =	sdelay $0x2  }
0x121: {  	[tilespmem:s18+$0x10AD0] =	vst v2  }
0x122: {  	v2 =	vld [tilespmem:s25+$0x660];
	_ =	sdelay $0x4  }
0x123: {  	[tilespmem:s18+$0x10AE0] =	vst v2  }
0x124: {  	v2 =	vld [tilespmem:s25+$0x670];
	_ =	sdelay $0x4  }
0x125: {  	s26 =	spop (v2sf);
	[tilespmem:s18+$0x10AF0] =	vst v2  }
0x126: {  	v2 =	vld [tilespmem:s26+$0x640];
	_ =	sdelay $0x4  }
0x127: {  	[tilespmem:s18+$0x10B00] =	vst v2  }
0x128: {  	v2 =	vld [tilespmem:s26+$0x650];
	_ =	sdelay $0x1  }
0x129: {  	(v2sf) =	vpush v1, $0xC;
	_ =	sdelay $0x2  }
0x12a: {  	[tilespmem:s18+$0x10B10] =	vst v2  }
0x12b: {  	v2 =	vld [tilespmem:s26+$0x660];
	_ =	sdelay $0x4  }
0x12c: {  	[tilespmem:s18+$0x10B20] =	vst v2  }
0x12d: {  	v2 =	vld [tilespmem:s26+$0x670];
	_ =	sdelay $0x4  }
0x12e: {  	s28 =	spop (v2sf);
	[tilespmem:s18+$0x10B30] =	vst v2  }
0x12f: {  	v2 =	vld [tilespmem:s28+$0x640];
	_ =	sdelay $0x4  }
0x130: {  	[tilespmem:s18+$0x10B40] =	vst v2  }
0x131: {  	v2 =	vld [tilespmem:s28+$0x650];
	_ =	sdelay $0x1  }
0x132: {  	(v2sf) =	vpush v1, $0xD;
	_ =	sdelay $0x2  }
0x133: {  	[tilespmem:s18+$0x10B50] =	vst v2  }
0x134: {  	v2 =	vld [tilespmem:s28+$0x660];
	_ =	sdelay $0x4  }
0x135: {  	[tilespmem:s18+$0x10B60] =	vst v2  }
0x136: {  	v2 =	vld [tilespmem:s28+$0x670];
	_ =	sdelay $0x4  }
0x137: {  	s29 =	spop (v2sf);
	[tilespmem:s18+$0x10B70] =	vst v2  }
0x138: {  	v2 =	vld [tilespmem:s29+$0x640];
	_ =	sdelay $0x4  }
0x139: {  	[tilespmem:s18+$0x10B80] =	vst v2  }
0x13a: {  	v2 =	vld [tilespmem:s29+$0x650];
	_ =	sdelay $0x1  }
0x13b: {  	(v2sf) =	vpush v1, $0xE;
	_ =	sdelay $0x2  }
0x13c: {  	[tilespmem:s18+$0x10B90] =	vst v2  }
0x13d: {  	v2 =	vld [tilespmem:s29+$0x660];
	_ =	sdelay $0x4  }
0x13e: {  	[tilespmem:s18+$0x10BA0] =	vst v2  }
0x13f: {  	v2 =	vld [tilespmem:s29+$0x670];
	_ =	sdelay $0x4  }
0x140: {  	s30 =	spop (v2sf);
	[tilespmem:s18+$0x10BB0] =	vst v2  }
0x141: {  	v2 =	vld [tilespmem:s30+$0x640];
	_ =	sdelay $0x4  }
0x142: {  	[tilespmem:s18+$0x10BC0] =	vst v2  }
0x143: {  	v2 =	vld [tilespmem:s30+$0x650];
	_ =	sdelay $0x1  }
0x144: {  	(v2sf) =	vpush v1, $0xF;
	_ =	sdelay $0x2  }
0x145: {  	[tilespmem:s18+$0x10BD0] =	vst v2  }
0x146: {  	v1 =	vld [tilespmem:s30+$0x660];
	_ =	sdelay $0x4  }
0x147: {  	[tilespmem:s18+$0x10BE0] =	vst v1  }
0x148: {  	v1 =	vld [tilespmem:s30+$0x670];
	_ =	sdelay $0x4  }
0x149: {  	s31 =	spop (v2sf);
	[tilespmem:s18+$0x10BF0] =	vst v1  }
0x14a: {  	v1 =	vld [tilespmem:s31+$0x640];
	_ =	sdelay $0x4  }
0x14b: {  	[tilespmem:s18+$0x10C00] =	vst v1  }
0x14c: {  	v1 =	vld [tilespmem:s31+$0x650];
	_ =	sdelay $0x4  }
0x14d: {  	[tilespmem:s18+$0x10C10] =	vst v1  }
0x14e: {  	v1 =	vld [tilespmem:s31+$0x660];
	_ =	sdelay $0x4  }
0x14f: {  	[tilespmem:s18+$0x10C20] =	vst v1  }
0x150: {  	p1 =	por p0, p0;
	v1 =	vld [tilespmem:s31+$0x670]  }
.Ltmp1:
0x151: {  	_ = 	snop;
	(pc) =	sbr.rel @p1 .LBB2_5-.Ltmp1, $2  }
0x152: {  	_ =	sdelay $0x2  }
0x153: {  	p0 =	por $0x0, $0x0;
	[tilespmem:s18+$0x10C30] =	vst v1;
	s18 =	simm.s32 $0x1  }
0x154: {  	s16 =	sadd.s32 $0x1, s16  }
0x155: {  	p0 =	sne.s32 s16, $0x19  }
.Ltmp2:
0x156: {  	s17 =	sshll.u32 s17, $0xB;
	(pc) =	sbr.rel @p0 .LBB2_2-.Ltmp2, $4  }
0x157: {  	s17 =	sadd.s32 s6, s17  }
0x158: {  	s17 =	sshrl.u32 s17, $0x3  }
0x159: {  	s17 =	sadd.s32 s2, s17  }
0x15a: {  	[hbm4b:s17+s3] =	stream.linear.scatter [tilespmem:s12], [sflag:$0x4], $0x800, $0x38;
	[tilespmem:$0x11040] =	vst v63  }
0x15b: {  	s15 =	sadd.s32 $0x1, s15  }
0x15c: {  	_ =	swait.ge [sflag:s13], $0x800;
	p0 =	sne.s32 s15, s7  }
.Ltmp3:
0x15d: {  	[sflag:s13] =	ssyncset.done $0x0;
	(pc) =	sbr.rel @p0 .LBB2_1-.Ltmp3, $4  }
0x15e: {  	[sflag:s13] =	ssyncadd.s32 $0xFFFFF800  }
0x15f: {  	_ =	swait.ge [sflag:s14], $0x800  }
0x160: {  	[sflag:s14] =	ssyncset.done $0x0  }
0x161: {  	[sflag:s14] =	ssyncadd.s32 $0xFFFFF800  }
0x162: {  	_ =	sfence.sel $0x180000  }
0x163: {  	[bflag:$0x0] =	sbarrier.arrive $0xFFFF  }
0x164: {  	p0 =	sne.s32 s0, $0x0;
	_ =	strace $0x90000047  }
0x165: {  	s0 =	sadd.s32 @!p0 $0x100000, s1;
	[bflag:$0x2] =	sbarrier.arrive $0xFFFF  }
0x166: {  	[sflag:s0] =	ssyncadd.tile.s32 @!p0 $0x1;
	_ =	shalt  }
.Lfunc_end2:
_tile_overlayer_lowered:
.L_overlay_start_2:
0x167: {  	(tag) =	ssettag $0x2  }
0x168: {  	s0 =	rddreg [dreg:$0x0];
	s2 =	stileid.u32  }
0x169: {  	s1 =	rddreg [dreg:$0x1];
	p0 =	sne.s32 s2, $0x0  }
0x16a: {  	s3 =	rddreg [dreg:$0x2];
	[bflag:$0x3] =	sbarrier.arrive $0xFFFF;
	s2 =	simm.s32 @!p0 $0x1C05  }
0x16b: {  	[timem:s3], [sflag:s2] =	dma.local @!p0 [hbm:s0], s1  }
0x16c: {  	s0 =	simm.s32 @!p0 $0x5  }
0x16d: {  	_ =	swait.ge @!p0 [sflag:s0], s1  }
0x16e: {  	s1 =	ssub.s32 @!p0 $0x0, s1;
	[sflag:s0] =	ssyncset.done @!p0 $0x0  }
0x16f: {  	[sflag:s0] =	ssyncadd.s32 @!p0 s1  }
0x170: {  	[bflag:$0x3] =	sbarrier.arrive $0xFFFF  }
0x171: {  	_ =	shalt  }

</sc_bundles>
